<compile_context>
chip_gen: v7x
topology: tpu7x:2x2x1
jax: 0.10.2.dev20260603
libtpu: 0.0.44.dev20260713+nightly
codegen_flags: <defaults>
</compile_context>

<pallas_src>
import functools

import jax
import jax.numpy as jnp
from jax import lax
from jax.experimental import pallas as pl
from jax.experimental.pallas import tpu as pltpu
from jax.experimental.pallas import tpu_sc as plsc

_H, _W = 60, 80
_HW = _H * _W
_QB = 600
_K = 3
_D = 128
_NC, _NS = 2, 16


def _knn_body(gxy_ref, uv_ref, idx_ref):
    N = uv_ref.shape[2]
    b = pl.program_id(0)
    qx = gxy_ref[:, 0:1]
    qy = gxy_ref[:, 1:2]
    px = uv_ref[0, 0:1, :]
    py = uv_ref[0, 1:2, :]
    q2 = qx * qx + qy * qy
    p2 = px * px + py * py
    qp = jnp.dot(gxy_ref[:, :], uv_ref[0],
                 preferred_element_type=jnp.float32)
    d = q2 - 2.0 * qp + p2

    lif = jax.lax.broadcasted_iota(jnp.int32, (_QB, N), 1).astype(jnp.float32)
    cols = []
    for k in range(_K):
        m = jnp.min(d, axis=1, keepdims=True)
        idxf = jnp.min(jnp.where(d == m, lif, jnp.float32(N)), axis=1,
                       keepdims=True)
        cols.append(idxf.astype(jnp.int32))
        if k < _K - 1:
            d = jnp.where(lif == idxf, jnp.inf, d)
    idx_ref[0] = jnp.concatenate(cols, axis=1) + b * N


def _interp_body(gxyt_ref, g0_ref, g1_ref, g2_ref, w1_ref, b1_ref, w2_ref,
                 b2_ref, wo_ref, bo_ref, out_ref):
    C = w2_ref.shape[0]
    qx = gxyt_ref[0:1, :]
    qy = gxyt_ref[1:2, :]
    acc = None
    for g_ref in (g0_ref, g1_ref, g2_ref):
        gt = g_ref[:, :].T
        offx = gt[0:1, :] - qx
        offy = gt[1:2, :] - qy
        nrm = jnp.sqrt(offx * offx + offy * offy)
        logits = b2_ref[:, 0:1]
        for j in range(3):
            h = (offx * w1_ref[j:j + 1, 0:1] + offy * w1_ref[j:j + 1, 1:2]
                 + nrm * w1_ref[j:j + 1, 2:3] + b1_ref[0:1, j:j + 1])
            h = jnp.where(h >= 0, h, 0.1 * h)
            logits = logits + w2_ref[:, j:j + 1] * h
        score = jax.nn.sigmoid(logits)
        term = score * gt[2:2 + C, :]
        acc = term if acc is None else acc + term
    o = jnp.dot(wo_ref[:, :], acc, preferred_element_type=jnp.float32,
                precision=jax.lax.Precision.HIGHEST) + bo_ref[:, 0:1]
    out_ref[0] = jnp.where(o >= 0, o, 0.1 * o)


def _sc_gather(table, idx_flat, b_per_w):
    nw = _NC * _NS
    mesh = plsc.VectorSubcoreMesh(core_axis_name="c", subcore_axis_name="s")

    @functools.partial(
        pl.kernel, mesh=mesh,
        out_type=jax.ShapeDtypeStruct((b_per_w * nw, _D), jnp.float32),
        scratch_types=[
            pltpu.VMEM((b_per_w,), jnp.int32),
            pltpu.VMEM((b_per_w, _D), jnp.float32),
            pltpu.SemaphoreType.DMA,
        ],
    )
    def k(idx_hbm, table_hbm, out_hbm, idx_v, rows_v, sem):
        wid = lax.axis_index("s") * _NC + lax.axis_index("c")
        base = wid * b_per_w
        pltpu.sync_copy(idx_hbm.at[pl.ds(base, b_per_w)], idx_v)
        pltpu.async_copy(table_hbm.at[idx_v], rows_v, sem).wait()
        pltpu.sync_copy(rows_v, out_hbm.at[pl.ds(base, b_per_w)])

    return k(idx_flat, table)


def kernel(uv, feat_3d, w1, b1, w2, b2, w_out, b_out, image_h, image_w):
    bs, _, N = uv.shape
    C = feat_3d.shape[1]
    T = _HW // _QB

    r = ((jnp.asarray(image_h, jnp.float32) - _H)
         + (jnp.asarray(image_w, jnp.float32) - _W))
    idx = jnp.arange(_HW, dtype=jnp.int32)
    xs = (idx % _W).astype(jnp.float32)
    ys = (idx // _W).astype(jnp.float32)
    gxy = jnp.stack([xs, ys], axis=1) + r

    knn_idx = pl.pallas_call(
        _knn_body,
        grid=(bs, T),
        in_specs=[
            pl.BlockSpec((_QB, 2), lambda b, t: (t, 0)),
            pl.BlockSpec((1, 2, N), lambda b, t: (b, 0, 0)),
        ],
        out_specs=pl.BlockSpec((1, _QB, _K), lambda b, t: (b, t, 0)),
        out_shape=jax.ShapeDtypeStruct((bs, _HW, _K), jnp.int32),
    )(gxy, uv)

    table = jnp.concatenate(
        [jnp.swapaxes(uv, 1, 2), jnp.swapaxes(feat_3d, 1, 2),
         jnp.zeros((bs, N, _D - 2 - C), jnp.float32)], axis=2,
    ).reshape(bs * N, _D)
    B = bs * _HW * _K
    nw = _NC * _NS
    b_pad = (B + 8 * nw - 1) // (8 * nw) * (8 * nw)
    idx_flat = jnp.concatenate(
        [jnp.transpose(knn_idx, (2, 0, 1)).reshape(B),
         jnp.zeros((b_pad - B,), jnp.int32)])
    rows = _sc_gather(table, idx_flat, b_pad // nw)

    out_qm = pl.pallas_call(
        _interp_body,
        grid=(bs,),
        in_specs=[
            pl.BlockSpec((2, _HW), lambda b: (0, 0)),
            pl.BlockSpec((_HW, _D), lambda b: (0 * bs + b, 0)),
            pl.BlockSpec((_HW, _D), lambda b: (1 * bs + b, 0)),
            pl.BlockSpec((_HW, _D), lambda b: (2 * bs + b, 0)),
            pl.BlockSpec((3, 3), lambda b: (0, 0)),
            pl.BlockSpec((1, 3), lambda b: (0, 0)),
            pl.BlockSpec((C, 3), lambda b: (0, 0)),
            pl.BlockSpec((C, 1), lambda b: (0, 0)),
            pl.BlockSpec((C, C), lambda b: (0, 0)),
            pl.BlockSpec((C, 1), lambda b: (0, 0)),
        ],
        out_specs=pl.BlockSpec((1, C, _HW), lambda b: (b, 0, 0)),
        out_shape=jax.ShapeDtypeStruct((bs, C, _HW), jnp.float32),
    )(gxy.T, rows, rows, rows, w1, b1[None, :], w2, b2[:, None], w_out,
      b_out[:, None])

    return out_qm.reshape(bs, C, _H, _W)

# --- scband reference (transcript-rebuilt; emitter-appended) ---
"""Pipeline reference for scband-fusion-aware-interp-70119636075169 (READ-ONLY COPY).

The authoritative reference and input builder live on the scoring server;
editing this copy changes nothing except your own understanding.
"""

import jax, jax.numpy as jnp
import numpy as np

K = 3

def setup_inputs(seed: int = 0) -> dict:
    key = jax.random.key(seed)
    ks = jax.random.split(key, 10)
    bs, N, C, H, W = 2, 4096, 64, 60, 80
    # uv are projected pixel coordinates of 3D points, scaled into image range
    uv = jax.random.uniform(ks[0], (bs, 2, N), dtype=jnp.float32) * jnp.array([W, H], dtype=jnp.float32)[None, :, None]
    feat_3d = jax.random.normal(ks[1], (bs, C, N), dtype=jnp.float32)
    # score_net: Conv2dNormRelu(3, k) 1x1 + leaky_relu(0.1), then Conv2dNormRelu(k, C) 1x1 + sigmoid
    w1 = jax.random.normal(ks[2], (K, 3), dtype=jnp.float32) * 0.3
    b1 = jnp.zeros((K,), dtype=jnp.float32)
    w2 = jax.random.normal(ks[3], (C, K), dtype=jnp.float32) * 0.3
    b2 = jnp.zeros((C,), dtype=jnp.float32)
    # out_conv: Conv2dNormRelu(C, C) 1x1 + leaky_relu(0.1)
    w_out = jax.random.normal(ks[4], (C, C), dtype=jnp.float32) * (1.0 / np.sqrt(C))
    b_out = jnp.zeros((C,), dtype=jnp.float32)
    return {"uv": uv, "feat_3d": feat_3d, "w1": w1, "b1": b1, "w2": w2, "b2": b2,
            "w_out": w_out, "b_out": b_out, "image_h": H, "image_w": W}


def _forward(uv, feat_3d, w1, b1, w2, b2, w_out, b_out, image_h, image_w):
    bs = uv.shape[0]
    C = feat_3d.shape[1]
    h_static, w_static = 60, 80
    # mesh_grid: [bs, 2, H*W] with channels (x, y)
    ys, xs = jnp.meshgrid(jnp.arange(h_static, dtype=jnp.float32),
                          jnp.arange(w_static, dtype=jnp.float32), indexing='ij')
    grid = jnp.stack([xs, ys], axis=0).reshape(2, -1)
    grid = jnp.broadcast_to(grid[None], (bs, 2, h_static * w_static))
    hw_residual = (jnp.asarray(image_h, dtype=jnp.float32) - h_static) + \
                  (jnp.asarray(image_w, dtype=jnp.float32) - w_static)
    grid = grid + hw_residual
    # k_nearest_neighbor(input=uv, query=grid, k): squared-distance via matmul trick
    q2 = jnp.sum(grid * grid, axis=1)                  # [bs, HW]
    p2 = jnp.sum(uv * uv, axis=1)                      # [bs, N]
    qp = jnp.einsum('bcq,bcn->bqn', grid, uv)          # [bs, HW, N]
    dist = q2[:, :, None] - 2.0 * qp + p2[:, None, :]  # [bs, HW, N]
    knn_idx = jax.lax.top_k(-dist, K)[1]               # [bs, HW, K] smallest distances
    # batch_indexing(cat([uv, feat_3d], 1), knn_idx, channel_first)
    feats = jnp.concatenate([uv, feat_3d], axis=1)     # [bs, 2+C, N]
    knn = jax.vmap(lambda f, idx: f[:, idx])(feats, knn_idx)  # [bs, 2+C, HW, K]
    knn_uv = knn[:, :2]
    knn_feat3d = knn[:, 2:]
    knn_offset = knn_uv - grid[:, :, :, None]                    # [bs, 2, HW, K]
    knn_offset_norm = jnp.linalg.norm(knn_offset, axis=1, keepdims=True)  # [bs, 1, HW, K]
    score_input = jnp.concatenate([knn_offset, knn_offset_norm], axis=1)  # [bs, 3, HW, K]
    h1 = jnp.einsum('oc,bcqk->boqk', w1, score_input) + b1[None, :, None, None]
    h1 = jax.nn.leaky_relu(h1, negative_slope=0.1)
    score = jax.nn.sigmoid(jnp.einsum('oc,bcqk->boqk', w2, h1) + b2[None, :, None, None])  # [bs, C, HW, K]
    final = jnp.sum(score * knn_feat3d, axis=-1).reshape(bs, C, h_static, w_static)
    out = jnp.einsum('oc,bchw->bohw', w_out, final) + b_out[None, :, None, None]
    out = jax.nn.leaky_relu(out, negative_slope=0.1)
    return out


def reference(uv, feat_3d, w1, b1, w2, b2, w_out, b_out, image_h, image_w):
    return _forward(uv, feat_3d, w1, b1, w2, b2, w_out, b_out, image_h, image_w)

if __name__ == "__main__":
    import jax
    _d = setup_inputs()
    print(jax.jit(kernel)(*tuple(_d.values())))

</pallas_src>

<mosaic_0001>
#map = affine_map<(d0, d1) -> (0)>
#map1 = affine_map<(d0, d1) -> (0, 0)>
module attributes {stable_mosaic.version = 14 : i64} {
  func.func @k(%arg0: i32, %arg1: i32, %arg2: memref<28928xi32, #tpu.memory_space<hbm>>, %arg3: memref<8192x128xf32, #tpu.memory_space<hbm>>, %arg4: memref<28928x128xf32, #tpu.memory_space<hbm>>, %arg5: memref<904xi32, #tpu.memory_space<vmem>>, %arg6: memref<904x128xf32, #tpu.memory_space<vmem>>, %arg7: memref<!tpu.dma_semaphore, #tpu.memory_space<semaphore_mem>>) attributes {dimension_semantics = [#tpu.dimension_semantics<core_parallel>, #tpu.dimension_semantics<subcore_parallel>], iteration_bounds = array<i64: 2, 16>, scalar_prefetch = 0 : i64, scratch_operands = 3 : i64, tpu.core_type = #tpu.core_type<sc_vector_subcore>, window_params = [{transform_indices = #map}, {transform_indices = #map1}, {transform_indices = #map1}]} {
    %mul3A = arith.constant 2 : i32
    %mul3A_0 = arith.muli %arg1, %mul3A : i32
    %add3A = arith.addi %mul3A_0, %arg0 : i32
    %mul3A_1 = arith.constant 904 : i32
    %mul3A_2 = arith.muli %add3A, %mul3A_1 : i32
    "tpu.region"() ({
      %run_scoped3A = tpu.sem_alloc : memref<!tpu.dma_semaphore, #tpu.memory_space<semaphore_mem>>
      %dma_start3A_7 = tpu.memref_slice %arg2[%mul3A_2] : memref<28928xi32, #tpu.memory_space<hbm>> -> memref<904xi32, #tpu.memory_space<hbm>>
      %dma_start3A_8 = tpu.memref_slice %arg2[%mul3A_2] : memref<28928xi32, #tpu.memory_space<hbm>> -> memref<904xi32, #tpu.memory_space<hbm>>
      tpu.enqueue_dma source(%dma_start3A_8 : memref<904xi32, #tpu.memory_space<hbm>>) target(%arg5 : memref<904xi32, #tpu.memory_space<vmem>>) target_semaphore(%run_scoped3A : memref<!tpu.dma_semaphore, #tpu.memory_space<semaphore_mem>>)
      %dma_wait3A_9 = tpu.memref_slice %arg2[%mul3A_2] : memref<28928xi32, #tpu.memory_space<hbm>> -> memref<904xi32, #tpu.memory_space<hbm>>
      %dma_wait3A_10 = tpu.memref_slice %arg2[%mul3A_2] : memref<28928xi32, #tpu.memory_space<hbm>> -> memref<904xi32, #tpu.memory_space<hbm>>
      tpu.wait_dma2 semaphore(%run_scoped3A : memref<!tpu.dma_semaphore, #tpu.memory_space<semaphore_mem>>) src(%dma_wait3A_10 : memref<904xi32, #tpu.memory_space<hbm>>) dst(%arg5 : memref<904xi32, #tpu.memory_space<vmem>>)
      tpu.yield
    }) : () -> ()
    %dma_start3A = arith.constant 0 : i32
    %dma_start3A_3 = arith.constant 0 : i32
    %dma_start3A_4 = tpu.memref_slice %arg3[%dma_start3A, %dma_start3A_3] : memref<8192x128xf32, #tpu.memory_space<hbm>> -> memref<8192x128xf32, #tpu.memory_space<hbm>>
    tpu.enqueue_indirect_dma source(%dma_start3A_4 : memref<8192x128xf32, #tpu.memory_space<hbm>>) target(%arg6 : memref<904x128xf32, #tpu.memory_space<vmem>>) offsets(%arg5 : memref<904xi32, #tpu.memory_space<vmem>>) semaphore(%arg7 : memref<!tpu.dma_semaphore, #tpu.memory_space<semaphore_mem>>)
    %dma_wait3A = arith.constant 0 : i32
    %dma_wait3A_5 = arith.constant 0 : i32
    %dma_wait3A_6 = tpu.memref_slice %arg3[%dma_wait3A, %dma_wait3A_5] : memref<8192x128xf32, #tpu.memory_space<hbm>> -> memref<8192x128xf32, #tpu.memory_space<hbm>>
    tpu.wait_indirect_dma semaphore(%arg7 : memref<!tpu.dma_semaphore, #tpu.memory_space<semaphore_mem>>) src(%dma_wait3A_6 : memref<8192x128xf32, #tpu.memory_space<hbm>>) dst(%arg6 : memref<904x128xf32, #tpu.memory_space<vmem>>)
    "tpu.region"() ({
      %run_scoped3A = tpu.sem_alloc : memref<!tpu.dma_semaphore, #tpu.memory_space<semaphore_mem>>
      %dma_start3A_7 = arith.constant 0 : i32
      %dma_start3A_8 = tpu.memref_slice %arg4[%mul3A_2, %dma_start3A_7] : memref<28928x128xf32, #tpu.memory_space<hbm>> -> memref<904x128xf32, #tpu.memory_space<hbm>>
      %dma_start3A_9 = arith.constant 0 : i32
      %dma_start3A_10 = tpu.memref_slice %arg4[%mul3A_2, %dma_start3A_9] : memref<28928x128xf32, #tpu.memory_space<hbm>> -> memref<904x128xf32, #tpu.memory_space<hbm>>
      tpu.enqueue_dma source(%arg6 : memref<904x128xf32, #tpu.memory_space<vmem>>) target(%dma_start3A_10 : memref<904x128xf32, #tpu.memory_space<hbm>>) target_semaphore(%run_scoped3A : memref<!tpu.dma_semaphore, #tpu.memory_space<semaphore_mem>>)
      %dma_wait3A_11 = arith.constant 0 : i32
      %dma_wait3A_12 = tpu.memref_slice %arg4[%mul3A_2, %dma_wait3A_11] : memref<28928x128xf32, #tpu.memory_space<hbm>> -> memref<904x128xf32, #tpu.memory_space<hbm>>
      %dma_wait3A_13 = arith.constant 0 : i32
      %dma_wait3A_14 = tpu.memref_slice %arg4[%mul3A_2, %dma_wait3A_13] : memref<28928x128xf32, #tpu.memory_space<hbm>> -> memref<904x128xf32, #tpu.memory_space<hbm>>
      tpu.wait_dma2 semaphore(%run_scoped3A : memref<!tpu.dma_semaphore, #tpu.memory_space<semaphore_mem>>) src(%arg6 : memref<904x128xf32, #tpu.memory_space<vmem>>) dst(%dma_wait3A_14 : memref<904x128xf32, #tpu.memory_space<hbm>>)
      tpu.yield
    }) : () -> ()
    return
  }
}

module attributes {stable_mosaic.version = 14 : i64} {
  func.func @_knn_body(%arg0: i32, %arg1: i32, %arg2: memref<600x2xf32, #tpu.memory_space<vmem>>, %arg3: memref<1x2x4096xf32, #tpu.memory_space<vmem>>, %arg4: memref<1x600x3xi32, #tpu.memory_space<vmem>>) attributes {dimension_semantics = [#tpu.dimension_semantics<arbitrary>, #tpu.dimension_semantics<arbitrary>], iteration_bounds = array<i64: 2, 8>, scalar_prefetch = 0 : i64, scratch_operands = 0 : i64, tpu.core_type = #tpu.core_type<tc>, window_params = [{transform_indices = @transform_0, window_bounds = array<i64: 600, 2>}, {transform_indices = @transform_1, window_bounds = array<i64: 1, 2, 4096>}, {transform_indices = @transform_2, window_bounds = array<i64: 1, 600, 3>}]} {
    %get3A = arith.constant 0 : index
    %get3A_0 = arith.constant 0 : index
    %get3A_1 = vector.load %arg2[%get3A, %get3A_0] : memref<600x2xf32, #tpu.memory_space<vmem>>, vector<600x1xf32>
    %get3A_2 = arith.constant 0 : index
    %get3A_3 = arith.constant 1 : index
    %get3A_4 = vector.load %arg2[%get3A_2, %get3A_3] : memref<600x2xf32, #tpu.memory_space<vmem>>, vector<600x1xf32>
    %get3A_5 = arith.constant 0 : index
    %get3A_6 = arith.constant 0 : index
    %get3A_7 = arith.constant 0 : index
    %get3A_8 = vector.load %arg3[%get3A_5, %get3A_6, %get3A_7] : memref<1x2x4096xf32, #tpu.memory_space<vmem>>, vector<1x1x4096xf32>
    %get3A_9 = vector.shape_cast %get3A_8 : vector<1x1x4096xf32> to vector<1x4096xf32>
    %get3A_10 = arith.constant 0 : index
    %get3A_11 = arith.constant 1 : index
    %get3A_12 = arith.constant 0 : index
    %get3A_13 = vector.load %arg3[%get3A_10, %get3A_11, %get3A_12] : memref<1x2x4096xf32, #tpu.memory_space<vmem>>, vector<1x1x4096xf32>
    %get3A_14 = vector.shape_cast %get3A_13 : vector<1x1x4096xf32> to vector<1x4096xf32>
    %mul3A = arith.mulf %get3A_1, %get3A_1 : vector<600x1xf32>
    %mul3A_15 = arith.mulf %get3A_4, %get3A_4 : vector<600x1xf32>
    %add3A = arith.addf %mul3A, %mul3A_15 : vector<600x1xf32>
    %mul3A_16 = arith.mulf %get3A_9, %get3A_9 : vector<1x4096xf32>
    %mul3A_17 = arith.mulf %get3A_14, %get3A_14 : vector<1x4096xf32>
    %add3A_18 = arith.addf %mul3A_16, %mul3A_17 : vector<1x4096xf32>
    %get3A_19 = arith.constant 0 : index
    %get3A_20 = arith.constant 0 : index
    %get3A_21 = vector.load %arg2[%get3A_19, %get3A_20] : memref<600x2xf32, #tpu.memory_space<vmem>>, vector<600x2xf32>
    %get3A_22 = arith.constant 0 : index
    %get3A_23 = arith.constant 0 : index
    %get3A_24 = arith.constant 0 : index
    %get3A_25 = vector.load %arg3[%get3A_22, %get3A_23, %get3A_24] : memref<1x2x4096xf32, #tpu.memory_space<vmem>>, vector<1x2x4096xf32>
    %get3A_26 = vector.shape_cast %get3A_25 : vector<1x2x4096xf32> to vector<2x4096xf32>
    %dot_general3A = arith.constant dense<0.000000e+00> : vector<600x4096xf32>
    %dot_general3A_27 = tpu.matmul %get3A_21, %get3A_26, %dot_general3A {dimension_numbers = #tpu.dot_dimension_numbers<[1], [0], [0], [1], [0, 0, 1, 1], [], []>, transpose_lhs_hint = false} : vector<600x2xf32>, vector<2x4096xf32>, vector<600x4096xf32> -> vector<600x4096xf32>
    %mul3A_28 = arith.constant 2.000000e+00 : f32
    %mul3A_29 = vector.broadcast %mul3A_28 : f32 to vector<600x4096xf32>
    %mul3A_30 = arith.mulf %mul3A_29, %dot_general3A_27 : vector<600x4096xf32>
    %sub3A = vector.broadcast %add3A : vector<600x1xf32> to vector<600x4096xf32>
    %sub3A_31 = arith.subf %sub3A, %mul3A_30 : vector<600x4096xf32>
    %add3A_32 = vector.broadcast %add3A_18 : vector<1x4096xf32> to vector<600x4096xf32>
    %add3A_33 = arith.addf %sub3A_31, %add3A_32 : vector<600x4096xf32>
    %iota3A = tpu.iota {dimensions = array<i32: 1>} : vector<600x4096xi32>
    %convert_element_type3A = arith.sitofp %iota3A : vector<600x4096xi32> to vector<600x4096xf32>
    %reduce_min3A = arith.constant dense<0x7F800000> : vector<600xf32>
    %reduce_min3A_34 = vector.multi_reduction <minimumf>, %add3A_33, %reduce_min3A [1] : vector<600x4096xf32> to vector<600xf32>
    %broadcast_in_dim3A = vector.shape_cast %reduce_min3A_34 : vector<600xf32> to vector<600x1xf32>
    %eq3A = vector.broadcast %broadcast_in_dim3A : vector<600x1xf32> to vector<600x4096xf32>
    %eq3A_35 = arith.cmpf oeq, %add3A_33, %eq3A : vector<600x4096xf32>
    %jit3A = arith.constant 4.096000e+03 : f32
    %broadcast_in_dim3A_36 = vector.broadcast %jit3A : f32 to vector<600x4096xf32>
    %select_n3A = arith.select %eq3A_35, %convert_element_type3A, %broadcast_in_dim3A_36 : vector<600x4096xi1>, vector<600x4096xf32>
    %reduce_min3A_37 = arith.constant dense<0x7F800000> : vector<600xf32>
    %reduce_min3A_38 = vector.multi_reduction <minimumf>, %select_n3A, %reduce_min3A_37 [1] : vector<600x4096xf32> to vector<600xf32>
    %broadcast_in_dim3A_39 = vector.shape_cast %reduce_min3A_38 : vector<600xf32> to vector<600x1xf32>
    %convert_element_type3A_40 = arith.fptosi %broadcast_in_dim3A_39 : vector<600x1xf32> to vector<600x1xi32>
    %eq3A_41 = vector.broadcast %broadcast_in_dim3A_39 : vector<600x1xf32> to vector<600x4096xf32>
    %eq3A_42 = arith.cmpf oeq, %convert_element_type3A, %eq3A_41 : vector<600x4096xf32>
    %jit3A_43 = arith.constant 0x7F800000 : f32
    %broadcast_in_dim3A_44 = vector.broadcast %jit3A_43 : f32 to vector<600x4096xf32>
    %select_n3A_45 = arith.select %eq3A_42, %broadcast_in_dim3A_44, %add3A_33 : vector<600x4096xi1>, vector<600x4096xf32>
    %reduce_min3A_46 = arith.constant dense<0x7F800000> : vector<600xf32>
    %reduce_min3A_47 = vector.multi_reduction <minimumf>, %select_n3A_45, %reduce_min3A_46 [1] : vector<600x4096xf32> to vector<600xf32>
    %broadcast_in_dim3A_48 = vector.shape_cast %reduce_min3A_47 : vector<600xf32> to vector<600x1xf32>
    %eq3A_49 = vector.broadcast %broadcast_in_dim3A_48 : vector<600x1xf32> to vector<600x4096xf32>
    %eq3A_50 = arith.cmpf oeq, %select_n3A_45, %eq3A_49 : vector<600x4096xf32>
    %jit3A_51 = arith.constant 4.096000e+03 : f32
    %broadcast_in_dim3A_52 = vector.broadcast %jit3A_51 : f32 to vector<600x4096xf32>
    %select_n3A_53 = arith.select %eq3A_50, %convert_element_type3A, %broadcast_in_dim3A_52 : vector<600x4096xi1>, vector<600x4096xf32>
    %reduce_min3A_54 = arith.constant dense<0x7F800000> : vector<600xf32>
    %reduce_min3A_55 = vector.multi_reduction <minimumf>, %select_n3A_53, %reduce_min3A_54 [1] : vector<600x4096xf32> to vector<600xf32>
    %broadcast_in_dim3A_56 = vector.shape_cast %reduce_min3A_55 : vector<600xf32> to vector<600x1xf32>
    %convert_element_type3A_57 = arith.fptosi %broadcast_in_dim3A_56 : vector<600x1xf32> to vector<600x1xi32>
    %eq3A_58 = vector.broadcast %broadcast_in_dim3A_56 : vector<600x1xf32> to vector<600x4096xf32>
    %eq3A_59 = arith.cmpf oeq, %convert_element_type3A, %eq3A_58 : vector<600x4096xf32>
    %jit3A_60 = arith.constant 0x7F800000 : f32
    %broadcast_in_dim3A_61 = vector.broadcast %jit3A_60 : f32 to vector<600x4096xf32>
    %select_n3A_62 = arith.select %eq3A_59, %broadcast_in_dim3A_61, %select_n3A_45 : vector<600x4096xi1>, vector<600x4096xf32>
    %reduce_min3A_63 = arith.constant dense<0x7F800000> : vector<600xf32>
    %reduce_min3A_64 = vector.multi_reduction <minimumf>, %select_n3A_62, %reduce_min3A_63 [1] : vector<600x4096xf32> to vector<600xf32>
    %broadcast_in_dim3A_65 = vector.shape_cast %reduce_min3A_64 : vector<600xf32> to vector<600x1xf32>
    %eq3A_66 = vector.broadcast %broadcast_in_dim3A_65 : vector<600x1xf32> to vector<600x4096xf32>
    %eq3A_67 = arith.cmpf oeq, %select_n3A_62, %eq3A_66 : vector<600x4096xf32>
    %jit3A_68 = arith.constant 4.096000e+03 : f32
    %broadcast_in_dim3A_69 = vector.broadcast %jit3A_68 : f32 to vector<600x4096xf32>
    %select_n3A_70 = arith.select %eq3A_67, %convert_element_type3A, %broadcast_in_dim3A_69 : vector<600x4096xi1>, vector<600x4096xf32>
    %reduce_min3A_71 = arith.constant dense<0x7F800000> : vector<600xf32>
    %reduce_min3A_72 = vector.multi_reduction <minimumf>, %select_n3A_70, %reduce_min3A_71 [1] : vector<600x4096xf32> to vector<600xf32>
    %broadcast_in_dim3A_73 = vector.shape_cast %reduce_min3A_72 : vector<600xf32> to vector<600x1xf32>
    %convert_element_type3A_74 = arith.fptosi %broadcast_in_dim3A_73 : vector<600x1xf32> to vector<600x1xi32>
    %concatenate3A = tpu.concatenate %convert_element_type3A_40, %convert_element_type3A_57, %convert_element_type3A_74 in 1 : vector<600x1xi32>, vector<600x1xi32>, vector<600x1xi32> -> vector<600x3xi32>
    %mul3A_75 = arith.constant 4096 : i32
    %mul3A_76 = arith.muli %arg0, %mul3A_75 : i32
    %add3A_77 = vector.broadcast %mul3A_76 : i32 to vector<600x3xi32>
    %add3A_78 = arith.addi %concatenate3A, %add3A_77 : vector<600x3xi32>
    %swap3A = arith.constant 0 : index
    %swap3A_79 = arith.constant 0 : index
    %swap3A_80 = arith.constant 0 : index
    %swap3A_81 = vector.load %arg4[%swap3A, %swap3A_79, %swap3A_80] : memref<1x600x3xi32, #tpu.memory_space<vmem>>, vector<1x600x3xi32>
    %swap3A_82 = vector.shape_cast %swap3A_81 : vector<1x600x3xi32> to vector<600x3xi32>
    %swap3A_83 = vector.shape_cast %add3A_78 : vector<600x3xi32> to vector<1x600x3xi32>
    tpu.vector_store %arg4[%swap3A, %swap3A_79, %swap3A_80], %swap3A_83 {strides = array<i32>} : memref<1x600x3xi32, #tpu.memory_space<vmem>>, vector<1x600x3xi32>,
    return
  }
  func.func @transform_0(%arg0: i32, %arg1: i32) -> (i32, i32) {
    %c0_i32 = arith.constant 0 : i32
    %c0_i32_0 = arith.constant 0 : i32
    return %arg1, %c0_i32 : i32, i32
  }
  func.func @transform_1(%arg0: i32, %arg1: i32) -> (i32, i32, i32) {
    %c0_i32 = arith.constant 0 : i32
    %c0_i32_0 = arith.constant 0 : i32
    %c0_i32_1 = arith.constant 0 : i32
    return %arg0, %c0_i32, %c0_i32_0 : i32, i32, i32
  }
  func.func @transform_2(%arg0: i32, %arg1: i32) -> (i32, i32, i32) {
    %c0_i32 = arith.constant 0 : i32
    %c0_i32_0 = arith.constant 0 : i32
    return %arg0, %arg1, %c0_i32 : i32, i32, i32
  }
}

module attributes {stable_mosaic.version = 14 : i64} {
  func.func @_interp_body(%arg0: i32, %arg1: memref<2x4800xf32, #tpu.memory_space<vmem>>, %arg2: memref<4800x128xf32, #tpu.memory_space<vmem>>, %arg3: memref<4800x128xf32, #tpu.memory_space<vmem>>, %arg4: memref<4800x128xf32, #tpu.memory_space<vmem>>, %arg5: memref<3x3xf32, #tpu.memory_space<vmem>>, %arg6: memref<1x3xf32, #tpu.memory_space<vmem>>, %arg7: memref<64x3xf32, #tpu.memory_space<vmem>>, %arg8: memref<64x1xf32, #tpu.memory_space<vmem>>, %arg9: memref<64x64xf32, #tpu.memory_space<vmem>>, %arg10: memref<64x1xf32, #tpu.memory_space<vmem>>, %arg11: memref<1x64x4800xf32, #tpu.memory_space<vmem>>) attributes {dimension_semantics = [#tpu.dimension_semantics<arbitrary>], iteration_bounds = array<i64: 2>, scalar_prefetch = 0 : i64, scratch_operands = 0 : i64, tpu.core_type = #tpu.core_type<tc>, window_params = [{pipeline_mode = #tpu.pipeline_mode<synchronous>, transform_indices = @transform_0, window_bounds = array<i64: 2, 4800>}, {transform_indices = @transform_1, window_bounds = array<i64: 4800, 128>}, {transform_indices = @transform_2, window_bounds = array<i64: 4800, 128>}, {transform_indices = @transform_3, window_bounds = array<i64: 4800, 128>}, {pipeline_mode = #tpu.pipeline_mode<synchronous>, transform_indices = @transform_4, window_bounds = array<i64: 3, 3>}, {pipeline_mode = #tpu.pipeline_mode<synchronous>, transform_indices = @transform_5, window_bounds = array<i64: 1, 3>}, {pipeline_mode = #tpu.pipeline_mode<synchronous>, transform_indices = @transform_6, window_bounds = array<i64: 64, 3>}, {pipeline_mode = #tpu.pipeline_mode<synchronous>, transform_indices = @transform_7, window_bounds = array<i64: 64, 1>}, {pipeline_mode = #tpu.pipeline_mode<synchronous>, transform_indices = @transform_8, window_bounds = array<i64: 64, 64>}, {pipeline_mode = #tpu.pipeline_mode<synchronous>, transform_indices = @transform_9, window_bounds = array<i64: 64, 1>}, {transform_indices = @transform_10, window_bounds = array<i64: 1, 64, 4800>}]} {
    %get3A = arith.constant 0 : index
    %get3A_0 = arith.constant 0 : index
    %get3A_1 = vector.load %arg1[%get3A, %get3A_0] : memref<2x4800xf32, #tpu.memory_space<vmem>>, vector<1x4800xf32>
    %get3A_2 = arith.constant 1 : index
    %get3A_3 = arith.constant 0 : index
    %get3A_4 = vector.load %arg1[%get3A_2, %get3A_3] : memref<2x4800xf32, #tpu.memory_space<vmem>>, vector<1x4800xf32>
    %get3A_5 = arith.constant 0 : index
    %get3A_6 = arith.constant 0 : index
    %get3A_7 = vector.load %arg2[%get3A_5, %get3A_6] : memref<4800x128xf32, #tpu.memory_space<vmem>>, vector<4800x128xf32>
    %transpose3A = tpu.transpose %get3A_7, [1, 0] : vector<4800x128xf32> -> vector<128x4800xf32>
    %slice3A = vector.extract_strided_slice %transpose3A {offsets = [0, 0], sizes = [1, 4800], strides = [1, 1]} : vector<128x4800xf32> to vector<1x4800xf32>
    %sub3A = arith.subf %slice3A, %get3A_1 : vector<1x4800xf32>
    %slice3A_8 = vector.extract_strided_slice %transpose3A {offsets = [1, 0], sizes = [1, 4800], strides = [1, 1]} : vector<128x4800xf32> to vector<1x4800xf32>
    %sub3A_9 = arith.subf %slice3A_8, %get3A_4 : vector<1x4800xf32>
    %mul3A = arith.mulf %sub3A, %sub3A : vector<1x4800xf32>
    %mul3A_10 = arith.mulf %sub3A_9, %sub3A_9 : vector<1x4800xf32>
    %add3A = arith.addf %mul3A, %mul3A_10 : vector<1x4800xf32>
    %sqrt3A = math.sqrt %add3A : vector<1x4800xf32>
    %get3A_11 = arith.constant 0 : index
    %get3A_12 = arith.constant 0 : index
    %get3A_13 = vector.load %arg8[%get3A_11, %get3A_12] : memref<64x1xf32, #tpu.memory_space<vmem>>, vector<64x1xf32>
    %get3A_14 = arith.constant 0 : index
    %get3A_15 = arith.constant 0 : index
    %get3A_16 = vector.load %arg5[%get3A_14, %get3A_15] : memref<3x3xf32, #tpu.memory_space<vmem>>, vector<1x1xf32>
    %mul3A_17 = vector.broadcast %get3A_16 : vector<1x1xf32> to vector<1x4800xf32>
    %mul3A_18 = arith.mulf %sub3A, %mul3A_17 : vector<1x4800xf32>
    %get3A_19 = arith.constant 0 : index
    %get3A_20 = arith.constant 1 : index
    %get3A_21 = vector.load %arg5[%get3A_19, %get3A_20] : memref<3x3xf32, #tpu.memory_space<vmem>>, vector<1x1xf32>
    %mul3A_22 = vector.broadcast %get3A_21 : vector<1x1xf32> to vector<1x4800xf32>
    %mul3A_23 = arith.mulf %sub3A_9, %mul3A_22 : vector<1x4800xf32>
    %add3A_24 = arith.addf %mul3A_18, %mul3A_23 : vector<1x4800xf32>
    %get3A_25 = arith.constant 0 : index
    %get3A_26 = arith.constant 2 : index
    %get3A_27 = vector.load %arg5[%get3A_25, %get3A_26] : memref<3x3xf32, #tpu.memory_space<vmem>>, vector<1x1xf32>
    %mul3A_28 = vector.broadcast %get3A_27 : vector<1x1xf32> to vector<1x4800xf32>
    %mul3A_29 = arith.mulf %sqrt3A, %mul3A_28 : vector<1x4800xf32>
    %add3A_30 = arith.addf %add3A_24, %mul3A_29 : vector<1x4800xf32>
    %get3A_31 = arith.constant 0 : index
    %get3A_32 = arith.constant 0 : index
    %get3A_33 = vector.load %arg6[%get3A_31, %get3A_32] : memref<1x3xf32, #tpu.memory_space<vmem>>, vector<1x1xf32>
    %add3A_34 = vector.broadcast %get3A_33 : vector<1x1xf32> to vector<1x4800xf32>
    %add3A_35 = arith.addf %add3A_30, %add3A_34 : vector<1x4800xf32>
    %ge3A = arith.constant 0.000000e+00 : f32
    %ge3A_36 = vector.broadcast %ge3A : f32 to vector<1x4800xf32>
    %ge3A_37 = arith.cmpf oge, %add3A_35, %ge3A_36 : vector<1x4800xf32>
    %mul3A_38 = arith.constant 1.000000e-01 : f32
    %mul3A_39 = vector.broadcast %mul3A_38 : f32 to vector<1x4800xf32>
    %mul3A_40 = arith.mulf %mul3A_39, %add3A_35 : vector<1x4800xf32>
    %select_n3A = arith.select %ge3A_37, %add3A_35, %mul3A_40 : vector<1x4800xi1>, vector<1x4800xf32>
    %get3A_41 = arith.constant 0 : index
    %get3A_42 = arith.constant 0 : index
    %get3A_43 = vector.load %arg7[%get3A_41, %get3A_42] : memref<64x3xf32, #tpu.memory_space<vmem>>, vector<64x1xf32>
    %mul3A_44 = vector.broadcast %get3A_43 : vector<64x1xf32> to vector<64x4800xf32>
    %mul3A_45 = vector.broadcast %select_n3A : vector<1x4800xf32> to vector<64x4800xf32>
    %mul3A_46 = arith.mulf %mul3A_44, %mul3A_45 : vector<64x4800xf32>
    %add3A_47 = vector.broadcast %get3A_13 : vector<64x1xf32> to vector<64x4800xf32>
    %add3A_48 = arith.addf %add3A_47, %mul3A_46 : vector<64x4800xf32>
    %get3A_49 = arith.constant 1 : index
    %get3A_50 = arith.constant 0 : index
    %get3A_51 = vector.load %arg5[%get3A_49, %get3A_50] : memref<3x3xf32, #tpu.memory_space<vmem>>, vector<1x1xf32>
    %mul3A_52 = vector.broadcast %get3A_51 : vector<1x1xf32> to vector<1x4800xf32>
    %mul3A_53 = arith.mulf %sub3A, %mul3A_52 : vector<1x4800xf32>
    %get3A_54 = arith.constant 1 : index
    %get3A_55 = arith.constant 1 : index
    %get3A_56 = vector.load %arg5[%get3A_54, %get3A_55] : memref<3x3xf32, #tpu.memory_space<vmem>>, vector<1x1xf32>
    %mul3A_57 = vector.broadcast %get3A_56 : vector<1x1xf32> to vector<1x4800xf32>
    %mul3A_58 = arith.mulf %sub3A_9, %mul3A_57 : vector<1x4800xf32>
    %add3A_59 = arith.addf %mul3A_53, %mul3A_58 : vector<1x4800xf32>
    %get3A_60 = arith.constant 1 : index
    %get3A_61 = arith.constant 2 : index
    %get3A_62 = vector.load %arg5[%get3A_60, %get3A_61] : memref<3x3xf32, #tpu.memory_space<vmem>>, vector<1x1xf32>
    %mul3A_63 = vector.broadcast %get3A_62 : vector<1x1xf32> to vector<1x4800xf32>
    %mul3A_64 = arith.mulf %sqrt3A, %mul3A_63 : vector<1x4800xf32>
    %add3A_65 = arith.addf %add3A_59, %mul3A_64 : vector<1x4800xf32>
    %get3A_66 = arith.constant 0 : index
    %get3A_67 = arith.constant 1 : index
    %get3A_68 = vector.load %arg6[%get3A_66, %get3A_67] : memref<1x3xf32, #tpu.memory_space<vmem>>, vector<1x1xf32>
    %add3A_69 = vector.broadcast %get3A_68 : vector<1x1xf32> to vector<1x4800xf32>
    %add3A_70 = arith.addf %add3A_65, %add3A_69 : vector<1x4800xf32>
    %ge3A_71 = arith.constant 0.000000e+00 : f32
    %ge3A_72 = vector.broadcast %ge3A_71 : f32 to vector<1x4800xf32>
    %ge3A_73 = arith.cmpf oge, %add3A_70, %ge3A_72 : vector<1x4800xf32>
    %mul3A_74 = arith.constant 1.000000e-01 : f32
    %mul3A_75 = vector.broadcast %mul3A_74 : f32 to vector<1x4800xf32>
    %mul3A_76 = arith.mulf %mul3A_75, %add3A_70 : vector<1x4800xf32>
    %select_n3A_77 = arith.select %ge3A_73, %add3A_70, %mul3A_76 : vector<1x4800xi1>, vector<1x4800xf32>
    %get3A_78 = arith.constant 0 : index
    %get3A_79 = arith.constant 1 : index
    %get3A_80 = vector.load %arg7[%get3A_78, %get3A_79] : memref<64x3xf32, #tpu.memory_space<vmem>>, vector<64x1xf32>
    %mul3A_81 = vector.broadcast %get3A_80 : vector<64x1xf32> to vector<64x4800xf32>
    %mul3A_82 = vector.broadcast %select_n3A_77 : vector<1x4800xf32> to vector<64x4800xf32>
    %mul3A_83 = arith.mulf %mul3A_81, %mul3A_82 : vector<64x4800xf32>
    %add3A_84 = arith.addf %add3A_48, %mul3A_83 : vector<64x4800xf32>
    %get3A_85 = arith.constant 2 : index
    %get3A_86 = arith.constant 0 : index
    %get3A_87 = vector.load %arg5[%get3A_85, %get3A_86] : memref<3x3xf32, #tpu.memory_space<vmem>>, vector<1x1xf32>
    %mul3A_88 = vector.broadcast %get3A_87 : vector<1x1xf32> to vector<1x4800xf32>
    %mul3A_89 = arith.mulf %sub3A, %mul3A_88 : vector<1x4800xf32>
    %get3A_90 = arith.constant 2 : index
    %get3A_91 = arith.constant 1 : index
    %get3A_92 = vector.load %arg5[%get3A_90, %get3A_91] : memref<3x3xf32, #tpu.memory_space<vmem>>, vector<1x1xf32>
    %mul3A_93 = vector.broadcast %get3A_92 : vector<1x1xf32> to vector<1x4800xf32>
    %mul3A_94 = arith.mulf %sub3A_9, %mul3A_93 : vector<1x4800xf32>
    %add3A_95 = arith.addf %mul3A_89, %mul3A_94 : vector<1x4800xf32>
    %get3A_96 = arith.constant 2 : index
    %get3A_97 = arith.constant 2 : index
    %get3A_98 = vector.load %arg5[%get3A_96, %get3A_97] : memref<3x3xf32, #tpu.memory_space<vmem>>, vector<1x1xf32>
    %mul3A_99 = vector.broadcast %get3A_98 : vector<1x1xf32> to vector<1x4800xf32>
    %mul3A_100 = arith.mulf %sqrt3A, %mul3A_99 : vector<1x4800xf32>
    %add3A_101 = arith.addf %add3A_95, %mul3A_100 : vector<1x4800xf32>
    %get3A_102 = arith.constant 0 : index
    %get3A_103 = arith.constant 2 : index
    %get3A_104 = vector.load %arg6[%get3A_102, %get3A_103] : memref<1x3xf32, #tpu.memory_space<vmem>>, vector<1x1xf32>
    %add3A_105 = vector.broadcast %get3A_104 : vector<1x1xf32> to vector<1x4800xf32>
    %add3A_106 = arith.addf %add3A_101, %add3A_105 : vector<1x4800xf32>
    %ge3A_107 = arith.constant 0.000000e+00 : f32
    %ge3A_108 = vector.broadcast %ge3A_107 : f32 to vector<1x4800xf32>
    %ge3A_109 = arith.cmpf oge, %add3A_106, %ge3A_108 : vector<1x4800xf32>
    %mul3A_110 = arith.constant 1.000000e-01 : f32
    %mul3A_111 = vector.broadcast %mul3A_110 : f32 to vector<1x4800xf32>
    %mul3A_112 = arith.mulf %mul3A_111, %add3A_106 : vector<1x4800xf32>
    %select_n3A_113 = arith.select %ge3A_109, %add3A_106, %mul3A_112 : vector<1x4800xi1>, vector<1x4800xf32>
    %get3A_114 = arith.constant 0 : index
    %get3A_115 = arith.constant 2 : index
    %get3A_116 = vector.load %arg7[%get3A_114, %get3A_115] : memref<64x3xf32, #tpu.memory_space<vmem>>, vector<64x1xf32>
    %mul3A_117 = vector.broadcast %get3A_116 : vector<64x1xf32> to vector<64x4800xf32>
    %mul3A_118 = vector.broadcast %select_n3A_113 : vector<1x4800xf32> to vector<64x4800xf32>
    %mul3A_119 = arith.mulf %mul3A_117, %mul3A_118 : vector<64x4800xf32>
    %add3A_120 = arith.addf %add3A_84, %mul3A_119 : vector<64x4800xf32>
    %logistic3A = arith.negf %add3A_120 : vector<64x4800xf32>
    %logistic3A_121 = math.exp %logistic3A : vector<64x4800xf32>
    %logistic3A_122 = arith.constant 1.000000e+00 : f32
    %logistic3A_123 = vector.broadcast %logistic3A_122 : f32 to vector<64x4800xf32>
    %logistic3A_124 = arith.addf %logistic3A_123, %logistic3A_121 : vector<64x4800xf32>
    %logistic3A_125 = arith.divf %logistic3A_123, %logistic3A_124 : vector<64x4800xf32>
    %slice3A_126 = vector.extract_strided_slice %transpose3A {offsets = [2, 0], sizes = [64, 4800], strides = [1, 1]} : vector<128x4800xf32> to vector<64x4800xf32>
    %mul3A_127 = arith.mulf %logistic3A_125, %slice3A_126 : vector<64x4800xf32>
    %get3A_128 = arith.constant 0 : index
    %get3A_129 = arith.constant 0 : index
    %get3A_130 = vector.load %arg3[%get3A_128, %get3A_129] : memref<4800x128xf32, #tpu.memory_space<vmem>>, vector<4800x128xf32>
    %transpose3A_131 = tpu.transpose %get3A_130, [1, 0] : vector<4800x128xf32> -> vector<128x4800xf32>
    %slice3A_132 = vector.extract_strided_slice %transpose3A_131 {offsets = [0, 0], sizes = [1, 4800], strides = [1, 1]} : vector<128x4800xf32> to vector<1x4800xf32>
    %sub3A_133 = arith.subf %slice3A_132, %get3A_1 : vector<1x4800xf32>
    %slice3A_134 = vector.extract_strided_slice %transpose3A_131 {offsets = [1, 0], sizes = [1, 4800], strides = [1, 1]} : vector<128x4800xf32> to vector<1x4800xf32>
    %sub3A_135 = arith.subf %slice3A_134, %get3A_4 : vector<1x4800xf32>
    %mul3A_136 = arith.mulf %sub3A_133, %sub3A_133 : vector<1x4800xf32>
    %mul3A_137 = arith.mulf %sub3A_135, %sub3A_135 : vector<1x4800xf32>
    %add3A_138 = arith.addf %mul3A_136, %mul3A_137 : vector<1x4800xf32>
    %sqrt3A_139 = math.sqrt %add3A_138 : vector<1x4800xf32>
    %get3A_140 = arith.constant 0 : index
    %get3A_141 = arith.constant 0 : index
    %get3A_142 = vector.load %arg8[%get3A_140, %get3A_141] : memref<64x1xf32, #tpu.memory_space<vmem>>, vector<64x1xf32>
    %get3A_143 = arith.constant 0 : index
    %get3A_144 = arith.constant 0 : index
    %get3A_145 = vector.load %arg5[%get3A_143, %get3A_144] : memref<3x3xf32, #tpu.memory_space<vmem>>, vector<1x1xf32>
    %mul3A_146 = vector.broadcast %get3A_145 : vector<1x1xf32> to vector<1x4800xf32>
    %mul3A_147 = arith.mulf %sub3A_133, %mul3A_146 : vector<1x4800xf32>
    %get3A_148 = arith.constant 0 : index
    %get3A_149 = arith.constant 1 : index
    %get3A_150 = vector.load %arg5[%get3A_148, %get3A_149] : memref<3x3xf32, #tpu.memory_space<vmem>>, vector<1x1xf32>
    %mul3A_151 = vector.broadcast %get3A_150 : vector<1x1xf32> to vector<1x4800xf32>
    %mul3A_152 = arith.mulf %sub3A_135, %mul3A_151 : vector<1x4800xf32>
    %add3A_153 = arith.addf %mul3A_147, %mul3A_152 : vector<1x4800xf32>
    %get3A_154 = arith.constant 0 : index
    %get3A_155 = arith.constant 2 : index
    %get3A_156 = vector.load %arg5[%get3A_154, %get3A_155] : memref<3x3xf32, #tpu.memory_space<vmem>>, vector<1x1xf32>
    %mul3A_157 = vector.broadcast %get3A_156 : vector<1x1xf32> to vector<1x4800xf32>
    %mul3A_158 = arith.mulf %sqrt3A_139, %mul3A_157 : vector<1x4800xf32>
    %add3A_159 = arith.addf %add3A_153, %mul3A_158 : vector<1x4800xf32>
    %get3A_160 = arith.constant 0 : index
    %get3A_161 = arith.constant 0 : index
    %get3A_162 = vector.load %arg6[%get3A_160, %get3A_161] : memref<1x3xf32, #tpu.memory_space<vmem>>, vector<1x1xf32>
    %add3A_163 = vector.broadcast %get3A_162 : vector<1x1xf32> to vector<1x4800xf32>
    %add3A_164 = arith.addf %add3A_159, %add3A_163 : vector<1x4800xf32>
    %ge3A_165 = arith.constant 0.000000e+00 : f32
    %ge3A_166 = vector.broadcast %ge3A_165 : f32 to vector<1x4800xf32>
    %ge3A_167 = arith.cmpf oge, %add3A_164, %ge3A_166 : vector<1x4800xf32>
    %mul3A_168 = arith.constant 1.000000e-01 : f32
    %mul3A_169 = vector.broadcast %mul3A_168 : f32 to vector<1x4800xf32>
    %mul3A_170 = arith.mulf %mul3A_169, %add3A_164 : vector<1x4800xf32>
    %select_n3A_171 = arith.select %ge3A_167, %add3A_164, %mul3A_170 : vector<1x4800xi1>, vector<1x4800xf32>
    %get3A_172 = arith.constant 0 : index
    %get3A_173 = arith.constant 0 : index
    %get3A_174 = vector.load %arg7[%get3A_172, %get3A_173] : memref<64x3xf32, #tpu.memory_space<vmem>>, vector<64x1xf32>
    %mul3A_175 = vector.broadcast %get3A_174 : vector<64x1xf32> to vector<64x4800xf32>
    %mul3A_176 = vector.broadcast %select_n3A_171 : vector<1x4800xf32> to vector<64x4800xf32>
    %mul3A_177 = arith.mulf %mul3A_175, %mul3A_176 : vector<64x4800xf32>
    %add3A_178 = vector.broadcast %get3A_142 : vector<64x1xf32> to vector<64x4800xf32>
    %add3A_179 = arith.addf %add3A_178, %mul3A_177 : vector<64x4800xf32>
    %get3A_180 = arith.constant 1 : index
    %get3A_181 = arith.constant 0 : index
    %get3A_182 = vector.load %arg5[%get3A_180, %get3A_181] : memref<3x3xf32, #tpu.memory_space<vmem>>, vector<1x1xf32>
    %mul3A_183 = vector.broadcast %get3A_182 : vector<1x1xf32> to vector<1x4800xf32>
    %mul3A_184 = arith.mulf %sub3A_133, %mul3A_183 : vector<1x4800xf32>
    %get3A_185 = arith.constant 1 : index
    %get3A_186 = arith.constant 1 : index
    %get3A_187 = vector.load %arg5[%get3A_185, %get3A_186] : memref<3x3xf32, #tpu.memory_space<vmem>>, vector<1x1xf32>
    %mul3A_188 = vector.broadcast %get3A_187 : vector<1x1xf32> to vector<1x4800xf32>
    %mul3A_189 = arith.mulf %sub3A_135, %mul3A_188 : vector<1x4800xf32>
    %add3A_190 = arith.addf %mul3A_184, %mul3A_189 : vector<1x4800xf32>
    %get3A_191 = arith.constant 1 : index
    %get3A_192 = arith.constant 2 : index
    %get3A_193 = vector.load %arg5[%get3A_191, %get3A_192] : memref<3x3xf32, #tpu.memory_space<vmem>>, vector<1x1xf32>
    %mul3A_194 = vector.broadcast %get3A_193 : vector<1x1xf32> to vector<1x4800xf32>
    %mul3A_195 = arith.mulf %sqrt3A_139, %mul3A_194 : vector<1x4800xf32>
    %add3A_196 = arith.addf %add3A_190, %mul3A_195 : vector<1x4800xf32>
    %get3A_197 = arith.constant 0 : index
    %get3A_198 = arith.constant 1 : index
    %get3A_199 = vector.load %arg6[%get3A_197, %get3A_198] : memref<1x3xf32, #tpu.memory_space<vmem>>, vector<1x1xf32>
    %add3A_200 = vector.broadcast %get3A_199 : vector<1x1xf32> to vector<1x4800xf32>
    %add3A_201 = arith.addf %add3A_196, %add3A_200 : vector<1x4800xf32>
    %ge3A_202 = arith.constant 0.000000e+00 : f32
    %ge3A_203 = vector.broadcast %ge3A_202 : f32 to vector<1x4800xf32>
    %ge3A_204 = arith.cmpf oge, %add3A_201, %ge3A_203 : vector<1x4800xf32>
    %mul3A_205 = arith.constant 1.000000e-01 : f32
    %mul3A_206 = vector.broadcast %mul3A_205 : f32 to vector<1x4800xf32>
    %mul3A_207 = arith.mulf %mul3A_206, %add3A_201 : vector<1x4800xf32>
    %select_n3A_208 = arith.select %ge3A_204, %add3A_201, %mul3A_207 : vector<1x4800xi1>, vector<1x4800xf32>
    %get3A_209 = arith.constant 0 : index
    %get3A_210 = arith.constant 1 : index
    %get3A_211 = vector.load %arg7[%get3A_209, %get3A_210] : memref<64x3xf32, #tpu.memory_space<vmem>>, vector<64x1xf32>
    %mul3A_212 = vector.broadcast %get3A_211 : vector<64x1xf32> to vector<64x4800xf32>
    %mul3A_213 = vector.broadcast %select_n3A_208 : vector<1x4800xf32> to vector<64x4800xf32>
    %mul3A_214 = arith.mulf %mul3A_212, %mul3A_213 : vector<64x4800xf32>
    %add3A_215 = arith.addf %add3A_179, %mul3A_214 : vector<64x4800xf32>
    %get3A_216 = arith.constant 2 : index
    %get3A_217 = arith.constant 0 : index
    %get3A_218 = vector.load %arg5[%get3A_216, %get3A_217] : memref<3x3xf32, #tpu.memory_space<vmem>>, vector<1x1xf32>
    %mul3A_219 = vector.broadcast %get3A_218 : vector<1x1xf32> to vector<1x4800xf32>
    %mul3A_220 = arith.mulf %sub3A_133, %mul3A_219 : vector<1x4800xf32>
    %get3A_221 = arith.constant 2 : index
    %get3A_222 = arith.constant 1 : index
    %get3A_223 = vector.load %arg5[%get3A_221, %get3A_222] : memref<3x3xf32, #tpu.memory_space<vmem>>, vector<1x1xf32>
    %mul3A_224 = vector.broadcast %get3A_223 : vector<1x1xf32> to vector<1x4800xf32>
    %mul3A_225 = arith.mulf %sub3A_135, %mul3A_224 : vector<1x4800xf32>
    %add3A_226 = arith.addf %mul3A_220, %mul3A_225 : vector<1x4800xf32>
    %get3A_227 = arith.constant 2 : index
    %get3A_228 = arith.constant 2 : index
    %get3A_229 = vector.load %arg5[%get3A_227, %get3A_228] : memref<3x3xf32, #tpu.memory_space<vmem>>, vector<1x1xf32>
    %mul3A_230 = vector.broadcast %get3A_229 : vector<1x1xf32> to vector<1x4800xf32>
    %mul3A_231 = arith.mulf %sqrt3A_139, %mul3A_230 : vector<1x4800xf32>
    %add3A_232 = arith.addf %add3A_226, %mul3A_231 : vector<1x4800xf32>
    %get3A_233 = arith.constant 0 : index
    %get3A_234 = arith.constant 2 : index
    %get3A_235 = vector.load %arg6[%get3A_233, %get3A_234] : memref<1x3xf32, #tpu.memory_space<vmem>>, vector<1x1xf32>
    %add3A_236 = vector.broadcast %get3A_235 : vector<1x1xf32> to vector<1x4800xf32>
    %add3A_237 = arith.addf %add3A_232, %add3A_236 : vector<1x4800xf32>
    %ge3A_238 = arith.constant 0.000000e+00 : f32
    %ge3A_239 = vector.broadcast %ge3A_238 : f32 to vector<1x4800xf32>
    %ge3A_240 = arith.cmpf oge, %add3A_237, %ge3A_239 : vector<1x4800xf32>
    %mul3A_241 = arith.constant 1.000000e-01 : f32
    %mul3A_242 = vector.broadcast %mul3A_241 : f32 to vector<1x4800xf32>
    %mul3A_243 = arith.mulf %mul3A_242, %add3A_237 : vector<1x4800xf32>
    %select_n3A_244 = arith.select %ge3A_240, %add3A_237, %mul3A_243 : vector<1x4800xi1>, vector<1x4800xf32>
    %get3A_245 = arith.constant 0 : index
    %get3A_246 = arith.constant 2 : index
    %get3A_247 = vector.load %arg7[%get3A_245, %get3A_246] : memref<64x3xf32, #tpu.memory_space<vmem>>, vector<64x1xf32>
    %mul3A_248 = vector.broadcast %get3A_247 : vector<64x1xf32> to vector<64x4800xf32>
    %mul3A_249 = vector.broadcast %select_n3A_244 : vector<1x4800xf32> to vector<64x4800xf32>
    %mul3A_250 = arith.mulf %mul3A_248, %mul3A_249 : vector<64x4800xf32>
    %add3A_251 = arith.addf %add3A_215, %mul3A_250 : vector<64x4800xf32>
    %logistic3A_252 = arith.negf %add3A_251 : vector<64x4800xf32>
    %logistic3A_253 = math.exp %logistic3A_252 : vector<64x4800xf32>
    %logistic3A_254 = arith.constant 1.000000e+00 : f32
    %logistic3A_255 = vector.broadcast %logistic3A_254 : f32 to vector<64x4800xf32>
    %logistic3A_256 = arith.addf %logistic3A_255, %logistic3A_253 : vector<64x4800xf32>
    %logistic3A_257 = arith.divf %logistic3A_255, %logistic3A_256 : vector<64x4800xf32>
    %slice3A_258 = vector.extract_strided_slice %transpose3A_131 {offsets = [2, 0], sizes = [64, 4800], strides = [1, 1]} : vector<128x4800xf32> to vector<64x4800xf32>
    %mul3A_259 = arith.mulf %logistic3A_257, %slice3A_258 : vector<64x4800xf32>
    %add3A_260 = arith.addf %mul3A_127, %mul3A_259 : vector<64x4800xf32>
    %get3A_261 = arith.constant 0 : index
    %get3A_262 = arith.constant 0 : index
    %get3A_263 = vector.load %arg4[%get3A_261, %get3A_262] : memref<4800x128xf32, #tpu.memory_space<vmem>>, vector<4800x128xf32>
    %transpose3A_264 = tpu.transpose %get3A_263, [1, 0] : vector<4800x128xf32> -> vector<128x4800xf32>
    %slice3A_265 = vector.extract_strided_slice %transpose3A_264 {offsets = [0, 0], sizes = [1, 4800], strides = [1, 1]} : vector<128x4800xf32> to vector<1x4800xf32>
    %sub3A_266 = arith.subf %slice3A_265, %get3A_1 : vector<1x4800xf32>
    %slice3A_267 = vector.extract_strided_slice %transpose3A_264 {offsets = [1, 0], sizes = [1, 4800], strides = [1, 1]} : vector<128x4800xf32> to vector<1x4800xf32>
    %sub3A_268 = arith.subf %slice3A_267, %get3A_4 : vector<1x4800xf32>
    %mul3A_269 = arith.mulf %sub3A_266, %sub3A_266 : vector<1x4800xf32>
    %mul3A_270 = arith.mulf %sub3A_268, %sub3A_268 : vector<1x4800xf32>
    %add3A_271 = arith.addf %mul3A_269, %mul3A_270 : vector<1x4800xf32>
    %sqrt3A_272 = math.sqrt %add3A_271 : vector<1x4800xf32>
    %get3A_273 = arith.constant 0 : index
    %get3A_274 = arith.constant 0 : index
    %get3A_275 = vector.load %arg8[%get3A_273, %get3A_274] : memref<64x1xf32, #tpu.memory_space<vmem>>, vector<64x1xf32>
    %get3A_276 = arith.constant 0 : index
    %get3A_277 = arith.constant 0 : index
    %get3A_278 = vector.load %arg5[%get3A_276, %get3A_277] : memref<3x3xf32, #tpu.memory_space<vmem>>, vector<1x1xf32>
    %mul3A_279 = vector.broadcast %get3A_278 : vector<1x1xf32> to vector<1x4800xf32>
    %mul3A_280 = arith.mulf %sub3A_266, %mul3A_279 : vector<1x4800xf32>
    %get3A_281 = arith.constant 0 : index
    %get3A_282 = arith.constant 1 : index
    %get3A_283 = vector.load %arg5[%get3A_281, %get3A_282] : memref<3x3xf32, #tpu.memory_space<vmem>>, vector<1x1xf32>
    %mul3A_284 = vector.broadcast %get3A_283 : vector<1x1xf32> to vector<1x4800xf32>
    %mul3A_285 = arith.mulf %sub3A_268, %mul3A_284 : vector<1x4800xf32>
    %add3A_286 = arith.addf %mul3A_280, %mul3A_285 : vector<1x4800xf32>
    %get3A_287 = arith.constant 0 : index
    %get3A_288 = arith.constant 2 : index
    %get3A_289 = vector.load %arg5[%get3A_287, %get3A_288] : memref<3x3xf32, #tpu.memory_space<vmem>>, vector<1x1xf32>
    %mul3A_290 = vector.broadcast %get3A_289 : vector<1x1xf32> to vector<1x4800xf32>
    %mul3A_291 = arith.mulf %sqrt3A_272, %mul3A_290 : vector<1x4800xf32>
    %add3A_292 = arith.addf %add3A_286, %mul3A_291 : vector<1x4800xf32>
    %get3A_293 = arith.constant 0 : index
    %get3A_294 = arith.constant 0 : index
    %get3A_295 = vector.load %arg6[%get3A_293, %get3A_294] : memref<1x3xf32, #tpu.memory_space<vmem>>, vector<1x1xf32>
    %add3A_296 = vector.broadcast %get3A_295 : vector<1x1xf32> to vector<1x4800xf32>
    %add3A_297 = arith.addf %add3A_292, %add3A_296 : vector<1x4800xf32>
    %ge3A_298 = arith.constant 0.000000e+00 : f32
    %ge3A_299 = vector.broadcast %ge3A_298 : f32 to vector<1x4800xf32>
    %ge3A_300 = arith.cmpf oge, %add3A_297, %ge3A_299 : vector<1x4800xf32>
    %mul3A_301 = arith.constant 1.000000e-01 : f32
    %mul3A_302 = vector.broadcast %mul3A_301 : f32 to vector<1x4800xf32>
    %mul3A_303 = arith.mulf %mul3A_302, %add3A_297 : vector<1x4800xf32>
    %select_n3A_304 = arith.select %ge3A_300, %add3A_297, %mul3A_303 : vector<1x4800xi1>, vector<1x4800xf32>
    %get3A_305 = arith.constant 0 : index
    %get3A_306 = arith.constant 0 : index
    %get3A_307 = vector.load %arg7[%get3A_305, %get3A_306] : memref<64x3xf32, #tpu.memory_space<vmem>>, vector<64x1xf32>
    %mul3A_308 = vector.broadcast %get3A_307 : vector<64x1xf32> to vector<64x4800xf32>
    %mul3A_309 = vector.broadcast %select_n3A_304 : vector<1x4800xf32> to vector<64x4800xf32>
    %mul3A_310 = arith.mulf %mul3A_308, %mul3A_309 : vector<64x4800xf32>
    %add3A_311 = vector.broadcast %get3A_275 : vector<64x1xf32> to vector<64x4800xf32>
    %add3A_312 = arith.addf %add3A_311, %mul3A_310 : vector<64x4800xf32>
    %get3A_313 = arith.constant 1 : index
    %get3A_314 = arith.constant 0 : index
    %get3A_315 = vector.load %arg5[%get3A_313, %get3A_314] : memref<3x3xf32, #tpu.memory_space<vmem>>, vector<1x1xf32>
    %mul3A_316 = vector.broadcast %get3A_315 : vector<1x1xf32> to vector<1x4800xf32>
    %mul3A_317 = arith.mulf %sub3A_266, %mul3A_316 : vector<1x4800xf32>
    %get3A_318 = arith.constant 1 : index
    %get3A_319 = arith.constant 1 : index
    %get3A_320 = vector.load %arg5[%get3A_318, %get3A_319] : memref<3x3xf32, #tpu.memory_space<vmem>>, vector<1x1xf32>
    %mul3A_321 = vector.broadcast %get3A_320 : vector<1x1xf32> to vector<1x4800xf32>
    %mul3A_322 = arith.mulf %sub3A_268, %mul3A_321 : vector<1x4800xf32>
    %add3A_323 = arith.addf %mul3A_317, %mul3A_322 : vector<1x4800xf32>
    %get3A_324 = arith.constant 1 : index
    %get3A_325 = arith.constant 2 : index
    %get3A_326 = vector.load %arg5[%get3A_324, %get3A_325] : memref<3x3xf32, #tpu.memory_space<vmem>>, vector<1x1xf32>
    %mul3A_327 = vector.broadcast %get3A_326 : vector<1x1xf32> to vector<1x4800xf32>
    %mul3A_328 = arith.mulf %sqrt3A_272, %mul3A_327 : vector<1x4800xf32>
    %add3A_329 = arith.addf %add3A_323, %mul3A_328 : vector<1x4800xf32>
    %get3A_330 = arith.constant 0 : index
    %get3A_331 = arith.constant 1 : index
    %get3A_332 = vector.load %arg6[%get3A_330, %get3A_331] : memref<1x3xf32, #tpu.memory_space<vmem>>, vector<1x1xf32>
    %add3A_333 = vector.broadcast %get3A_332 : vector<1x1xf32> to vector<1x4800xf32>
    %add3A_334 = arith.addf %add3A_329, %add3A_333 : vector<1x4800xf32>
    %ge3A_335 = arith.constant 0.000000e+00 : f32
    %ge3A_336 = vector.broadcast %ge3A_335 : f32 to vector<1x4800xf32>
    %ge3A_337 = arith.cmpf oge, %add3A_334, %ge3A_336 : vector<1x4800xf32>
    %mul3A_338 = arith.constant 1.000000e-01 : f32
    %mul3A_339 = vector.broadcast %mul3A_338 : f32 to vector<1x4800xf32>
    %mul3A_340 = arith.mulf %mul3A_339, %add3A_334 : vector<1x4800xf32>
    %select_n3A_341 = arith.select %ge3A_337, %add3A_334, %mul3A_340 : vector<1x4800xi1>, vector<1x4800xf32>
    %get3A_342 = arith.constant 0 : index
    %get3A_343 = arith.constant 1 : index
    %get3A_344 = vector.load %arg7[%get3A_342, %get3A_343] : memref<64x3xf32, #tpu.memory_space<vmem>>, vector<64x1xf32>
    %mul3A_345 = vector.broadcast %get3A_344 : vector<64x1xf32> to vector<64x4800xf32>
    %mul3A_346 = vector.broadcast %select_n3A_341 : vector<1x4800xf32> to vector<64x4800xf32>
    %mul3A_347 = arith.mulf %mul3A_345, %mul3A_346 : vector<64x4800xf32>
    %add3A_348 = arith.addf %add3A_312, %mul3A_347 : vector<64x4800xf32>
    %get3A_349 = arith.constant 2 : index
    %get3A_350 = arith.constant 0 : index
    %get3A_351 = vector.load %arg5[%get3A_349, %get3A_350] : memref<3x3xf32, #tpu.memory_space<vmem>>, vector<1x1xf32>
    %mul3A_352 = vector.broadcast %get3A_351 : vector<1x1xf32> to vector<1x4800xf32>
    %mul3A_353 = arith.mulf %sub3A_266, %mul3A_352 : vector<1x4800xf32>
    %get3A_354 = arith.constant 2 : index
    %get3A_355 = arith.constant 1 : index
    %get3A_356 = vector.load %arg5[%get3A_354, %get3A_355] : memref<3x3xf32, #tpu.memory_space<vmem>>, vector<1x1xf32>
    %mul3A_357 = vector.broadcast %get3A_356 : vector<1x1xf32> to vector<1x4800xf32>
    %mul3A_358 = arith.mulf %sub3A_268, %mul3A_357 : vector<1x4800xf32>
    %add3A_359 = arith.addf %mul3A_353, %mul3A_358 : vector<1x4800xf32>
    %get3A_360 = arith.constant 2 : index
    %get3A_361 = arith.constant 2 : index
    %get3A_362 = vector.load %arg5[%get3A_360, %get3A_361] : memref<3x3xf32, #tpu.memory_space<vmem>>, vector<1x1xf32>
    %mul3A_363 = vector.broadcast %get3A_362 : vector<1x1xf32> to vector<1x4800xf32>
    %mul3A_364 = arith.mulf %sqrt3A_272, %mul3A_363 : vector<1x4800xf32>
    %add3A_365 = arith.addf %add3A_359, %mul3A_364 : vector<1x4800xf32>
    %get3A_366 = arith.constant 0 : index
    %get3A_367 = arith.constant 2 : index
    %get3A_368 = vector.load %arg6[%get3A_366, %get3A_367] : memref<1x3xf32, #tpu.memory_space<vmem>>, vector<1x1xf32>
    %add3A_369 = vector.broadcast %get3A_368 : vector<1x1xf32> to vector<1x4800xf32>
    %add3A_370 = arith.addf %add3A_365, %add3A_369 : vector<1x4800xf32>
    %ge3A_371 = arith.constant 0.000000e+00 : f32
    %ge3A_372 = vector.broadcast %ge3A_371 : f32 to vector<1x4800xf32>
    %ge3A_373 = arith.cmpf oge, %add3A_370, %ge3A_372 : vector<1x4800xf32>
    %mul3A_374 = arith.constant 1.000000e-01 : f32
    %mul3A_375 = vector.broadcast %mul3A_374 : f32 to vector<1x4800xf32>
    %mul3A_376 = arith.mulf %mul3A_375, %add3A_370 : vector<1x4800xf32>
    %select_n3A_377 = arith.select %ge3A_373, %add3A_370, %mul3A_376 : vector<1x4800xi1>, vector<1x4800xf32>
    %get3A_378 = arith.constant 0 : index
    %get3A_379 = arith.constant 2 : index
    %get3A_380 = vector.load %arg7[%get3A_378, %get3A_379] : memref<64x3xf32, #tpu.memory_space<vmem>>, vector<64x1xf32>
    %mul3A_381 = vector.broadcast %get3A_380 : vector<64x1xf32> to vector<64x4800xf32>
    %mul3A_382 = vector.broadcast %select_n3A_377 : vector<1x4800xf32> to vector<64x4800xf32>
    %mul3A_383 = arith.mulf %mul3A_381, %mul3A_382 : vector<64x4800xf32>
    %add3A_384 = arith.addf %add3A_348, %mul3A_383 : vector<64x4800xf32>
    %logistic3A_385 = arith.negf %add3A_384 : vector<64x4800xf32>
    %logistic3A_386 = math.exp %logistic3A_385 : vector<64x4800xf32>
    %logistic3A_387 = arith.constant 1.000000e+00 : f32
    %logistic3A_388 = vector.broadcast %logistic3A_387 : f32 to vector<64x4800xf32>
    %logistic3A_389 = arith.addf %logistic3A_388, %logistic3A_386 : vector<64x4800xf32>
    %logistic3A_390 = arith.divf %logistic3A_388, %logistic3A_389 : vector<64x4800xf32>
    %slice3A_391 = vector.extract_strided_slice %transpose3A_264 {offsets = [2, 0], sizes = [64, 4800], strides = [1, 1]} : vector<128x4800xf32> to vector<64x4800xf32>
    %mul3A_392 = arith.mulf %logistic3A_390, %slice3A_391 : vector<64x4800xf32>
    %add3A_393 = arith.addf %add3A_260, %mul3A_392 : vector<64x4800xf32>
    %get3A_394 = arith.constant 0 : index
    %get3A_395 = arith.constant 0 : index
    %get3A_396 = vector.load %arg9[%get3A_394, %get3A_395] : memref<64x64xf32, #tpu.memory_space<vmem>>, vector<64x64xf32>
    %dot_general3A = arith.constant dense<0.000000e+00> : vector<64x4800xf32>
    %dot_general3A_397 = tpu.matmul %get3A_396, %add3A_393, %dot_general3A {dimension_numbers = #tpu.dot_dimension_numbers<[1], [0], [0], [1], [0, 0, 1, 1], [], []>, precision = #tpu.contract_precision<fp32>, transpose_lhs_hint = false} : vector<64x64xf32>, vector<64x4800xf32>, vector<64x4800xf32> -> vector<64x4800xf32>
    %get3A_398 = arith.constant 0 : index
    %get3A_399 = arith.constant 0 : index
    %get3A_400 = vector.load %arg10[%get3A_398, %get3A_399] : memref<64x1xf32, #tpu.memory_space<vmem>>, vector<64x1xf32>
    %add3A_401 = vector.broadcast %get3A_400 : vector<64x1xf32> to vector<64x4800xf32>
    %add3A_402 = arith.addf %dot_general3A_397, %add3A_401 : vector<64x4800xf32>
    %ge3A_403 = arith.constant 0.000000e+00 : f32
    %ge3A_404 = vector.broadcast %ge3A_403 : f32 to vector<64x4800xf32>
    %ge3A_405 = arith.cmpf oge, %add3A_402, %ge3A_404 : vector<64x4800xf32>
    %mul3A_406 = arith.constant 1.000000e-01 : f32
    %mul3A_407 = vector.broadcast %mul3A_406 : f32 to vector<64x4800xf32>
    %mul3A_408 = arith.mulf %mul3A_407, %add3A_402 : vector<64x4800xf32>
    %select_n3A_409 = arith.select %ge3A_405, %add3A_402, %mul3A_408 : vector<64x4800xi1>, vector<64x4800xf32>
    %swap3A = arith.constant 0 : index
    %swap3A_410 = arith.constant 0 : index
    %swap3A_411 = arith.constant 0 : index
    %swap3A_412 = vector.load %arg11[%swap3A, %swap3A_410, %swap3A_411] : memref<1x64x4800xf32, #tpu.memory_space<vmem>>, vector<1x64x4800xf32>
    %swap3A_413 = vector.shape_cast %swap3A_412 : vector<1x64x4800xf32> to vector<64x4800xf32>
    %swap3A_414 = vector.shape_cast %select_n3A_409 : vector<64x4800xf32> to vector<1x64x4800xf32>
    tpu.vector_store %arg11[%swap3A, %swap3A_410, %swap3A_411], %swap3A_414 {strides = array<i32>} : memref<1x64x4800xf32, #tpu.memory_space<vmem>>, vector<1x64x4800xf32>,
    return
  }
  func.func @transform_0(%arg0: i32) -> (i32, i32) {
    %c0_i32 = arith.constant 0 : i32
    %c0_i32_0 = arith.constant 0 : i32
    %c0_i32_1 = arith.constant 0 : i32
    return %c0_i32, %c0_i32_0 : i32, i32
  }
  func.func @transform_1(%arg0: i32) -> (i32, i32) {
    %add3A = arith.constant 0 : i32
    %add3A_0 = arith.addi %add3A, %arg0 : i32
    %c0_i32 = arith.constant 0 : i32
    %c0_i32_1 = arith.constant 0 : i32
    return %add3A_0, %c0_i32 : i32, i32
  }
  func.func @transform_2(%arg0: i32) -> (i32, i32) {
    %add3A = arith.constant 2 : i32
    %add3A_0 = arith.addi %add3A, %arg0 : i32
    %c0_i32 = arith.constant 0 : i32
    %c0_i32_1 = arith.constant 0 : i32
    return %add3A_0, %c0_i32 : i32, i32
  }
  func.func @transform_3(%arg0: i32) -> (i32, i32) {
    %add3A = arith.constant 4 : i32
    %add3A_0 = arith.addi %add3A, %arg0 : i32
    %c0_i32 = arith.constant 0 : i32
    %c0_i32_1 = arith.constant 0 : i32
    return %add3A_0, %c0_i32 : i32, i32
  }
  func.func @transform_4(%arg0: i32) -> (i32, i32) {
    %c0_i32 = arith.constant 0 : i32
    %c0_i32_0 = arith.constant 0 : i32
    %c0_i32_1 = arith.constant 0 : i32
    return %c0_i32, %c0_i32_0 : i32, i32
  }
  func.func @transform_5(%arg0: i32) -> (i32, i32) {
    %c0_i32 = arith.constant 0 : i32
    %c0_i32_0 = arith.constant 0 : i32
    %c0_i32_1 = arith.constant 0 : i32
    return %c0_i32, %c0_i32_0 : i32, i32
  }
  func.func @transform_6(%arg0: i32) -> (i32, i32) {
    %c0_i32 = arith.constant 0 : i32
    %c0_i32_0 = arith.constant 0 : i32
    %c0_i32_1 = arith.constant 0 : i32
    return %c0_i32, %c0_i32_0 : i32, i32
  }
  func.func @transform_7(%arg0: i32) -> (i32, i32) {
    %c0_i32 = arith.constant 0 : i32
    %c0_i32_0 = arith.constant 0 : i32
    %c0_i32_1 = arith.constant 0 : i32
    return %c0_i32, %c0_i32_0 : i32, i32
  }
  func.func @transform_8(%arg0: i32) -> (i32, i32) {
    %c0_i32 = arith.constant 0 : i32
    %c0_i32_0 = arith.constant 0 : i32
    %c0_i32_1 = arith.constant 0 : i32
    return %c0_i32, %c0_i32_0 : i32, i32
  }
  func.func @transform_9(%arg0: i32) -> (i32, i32) {
    %c0_i32 = arith.constant 0 : i32
    %c0_i32_0 = arith.constant 0 : i32
    %c0_i32_1 = arith.constant 0 : i32
    return %c0_i32, %c0_i32_0 : i32, i32
  }
  func.func @transform_10(%arg0: i32) -> (i32, i32, i32) {
    %c0_i32 = arith.constant 0 : i32
    %c0_i32_0 = arith.constant 0 : i32
    %c0_i32_1 = arith.constant 0 : i32
    return %arg0, %c0_i32, %c0_i32_0 : i32, i32, i32
  }
}

</mosaic_0001>

<sc_bundles>
// kernel: kernel.5.cloned.1.call-start
scs
__scs_entry_jumppad:
0x0: {  	(pc) =	sbr.rel $0x88, $3  }
0x1: {  	(tag) =	ssettag $0x0;
	lr =	simm.s32 $0x1  }
0x2: {  	[smem:$0x3F97] =	sst lr;
	_ =	strace $0xD0000000  }
0x3: {  	_ = 	snop  }
0x4: {  	_ = 	snop  }
0x5: {  	_ = 	snop  }
0x6: {  	_ = 	snop  }
0x7: {  	_ = 	snop  }
__scs_overlays_trampoline_lowered:
0x8: {  	[smem:$0x3FA6] =	sst s0  }
0x9: {  	[smem:$0x3FA7] =	sst s1  }
0xa: {  	[smem:$0x3FA8] =	sst s2  }
0xb: {  	[smem:$0x3FA9] =	sst s3  }
0xc: {  	[smem:$0x3FAA] =	sst s4  }
0xd: {  	[smem:$0x3FAB] =	sst s5  }
0xe: {  	[smem:$0x3FAC] =	sst s6  }
0xf: {  	[smem:$0x3FAD] =	sst s7  }
0x10: {  	[smem:$0x3FAE] =	sst s8  }
0x11: {  	[smem:$0x3FAF] =	sst s9;
	s0 =	simm.s32 @!p0 $0x0  }
0x12: {  	s1 =	sld [smem:$0x3F95];
	s0 =	simm.s32 @p0 $0x1  }
0x13: {  	[smem:$0x3FB0] =	sst s0;
	s0 =	simm.s32 @!p1 $0x0  }
0x14: {  	s2 =	sld [smem:$0x3F94];
	s0 =	simm.s32 @p1 $0x1  }
0x15: {  	[smem:$0x3FB1] =	sst s0;
	s0 =	simm.s32 @!p2 $0x0  }
0x16: {  	s3 =	sld [smem:$0x3FDB];
	s0 =	simm.s32 @p2 $0x1  }
0x17: {  	s4 =	simm.s32 $0x1BF5;
	[smem:$0x3FB3] =	sst s0  }
0x18: {  	s0 =	sld [smem:$0x3F96];
	_ =	swait.ge [sflag:s4], $0x0  }
0x19: {  	s7 =	sld [smem:$0x3F97]  }
0x1a: {  	s8 =	sadd.s32 $0xFFFFE003, lr  }
0x1b: {  	s9 =	sadd.s32 $0xFFFFFEF7, lr;
	s5 =	simm.s32 $0xFFFFFFFF;
	p2 =	slt.u32 s8, $0xFFFFF086  }
0x1c: {  	p1 =	slt.u32 s9, $0xF7A;
	s5 =	simm.s32 @!p2 $0x0  }
0x1d: {  	s5 =	simm.s32 @p1 $0x1;
	p0 =	seq.s32 s7, s2  }
0x1e: {  	s7 =	smul.u32 @!p0 $0xF7A, s2;
	p2 =	seq.s32 @!p0 s5, $0x0  }
0x1f: {  	s9 =	smul.u32 $0xF7A, s1;
	s8 =	simm.s32 @!p0 $0x1BF5;
	p2 =	por !p2, p0  }
0x20: {  	[sflag:s8] =	ssyncset.s32 @!p0 $0xFFFFF086;
	s6 =	sadd.s32 @!p0 s3, s7;
	s7 =	simm.s32 @!p0 $0x108  }
0x21: {  	s3 =	sadd.s32 s3, s9;
	s6 =	sadd.s32 @!p0 $0x88, s6;
	s7 =	simm.s32 @p2 $0x1082  }
0x22: {  	[simem:s7], [sflag:s8] =	dma.local @!p0 [hbm:s6], $0xF7A  }
0x23: {  	s9 =	sor.u32 $0xD0000000, s2;
	s6 =	simm.s32 $0x108;
	_ =	swait.ge @!p0 [sflag:s8], $0x0  }
0x24: {  	s3 =	sadd.s32 $0x88, s3;
	s6 =	simm.s32 @!p1 $0x1082;
	[sflag:s4] =	ssyncset.s32 $0xFFFFF086  }
0x25: {  	[simem:s6], [sflag:s4] =	dma.local [hbm:s3], $0xF7A  }
0x26: {  	[smem:$0x3F97] =	sst s1;
	(tag) =	ssettag s2;
	_ =	strace s9  }
0x27: {  	s1 =	sld [smem:$0x3FA7]  }
0x28: {  	s2 =	sld [smem:$0x3FA8]  }
0x29: {  	s4 =	sld [smem:$0x3FAA]  }
0x2a: {  	p0 =	seq.s32 s5, $0x0;
	s5 =	sld [smem:$0x3FAB]  }
0x2b: {  	s6 =	sld [smem:$0x3FAC]  }
0x2c: {  	s7 =	sld [smem:$0x3FAD]  }
0x2d: {  	s3 =	simm.s32 $0x108;
	s8 =	sld [smem:$0x3FAE]  }
0x2e: {  	s3 =	simm.s32 @!p0 $0x1082;
	s9 =	sld [smem:$0x3FAF]  }
0x2f: {  	lr =	sadd.s32 s0, s3;
	s0 =	sld [smem:$0x3FA6]  }
0x30: {  	s3 =	sld [smem:$0x3FA9]  }
0x31: {  	[smem:$0x3FB2] =	sst s10  }
0x32: {  	s10 =	sld [smem:$0x3FB0];
	_ =	sdelay $0x3  }
0x33: {  	p0 =	seq.s32 s10, $0x1;
	s10 =	sld [smem:$0x3FB2];
	_ =	sdelay $0x3  }
0x34: {  	[smem:$0x3FB2] =	sst s10  }
0x35: {  	s10 =	sld [smem:$0x3FB1];
	_ =	sdelay $0x3  }
0x36: {  	p1 =	seq.s32 s10, $0x1;
	s10 =	sld [smem:$0x3FB2];
	_ =	sdelay $0x3  }
0x37: {  	[smem:$0x3FB2] =	sst s10  }
0x38: {  	s10 =	sld [smem:$0x3FB3]  }
0x39: {  	_ = 	snop;
	(pc) =	sbr.ind lr, $3  }
0x3a: {  	_ = 	snop  }
0x3b: {  	_ = 	snop  }
0x3c: {  	p2 =	seq.s32 s10, $0x1;
	s10 =	sld [smem:$0x3FB2]  }
0x3d: {  	_ =	shalt  }
0x3e: {  	_ =	shalt  }
0x3f: {  	_ =	shalt  }
0x40: {  	_ =	shalt  }
0x41: {  	_ =	shalt  }
0x42: {  	_ =	shalt  }
0x43: {  	_ =	shalt  }
0x44: {  	_ =	shalt  }
0x45: {  	_ =	shalt  }
0x46: {  	_ =	shalt  }
0x47: {  	_ =	shalt  }
0x48: {  	_ =	shalt  }
0x49: {  	_ =	shalt  }
0x4a: {  	_ =	shalt  }
0x4b: {  	_ =	shalt  }
0x4c: {  	_ =	shalt  }
0x4d: {  	_ =	shalt  }
0x4e: {  	_ =	shalt  }
0x4f: {  	_ =	shalt  }
0x50: {  	_ =	shalt  }
0x51: {  	_ =	shalt  }
0x52: {  	_ =	shalt  }
0x53: {  	_ =	shalt  }
0x54: {  	_ =	shalt  }
0x55: {  	_ =	shalt  }
0x56: {  	_ =	shalt  }
0x57: {  	_ =	shalt  }
0x58: {  	_ =	shalt  }
0x59: {  	_ =	shalt  }
0x5a: {  	_ =	shalt  }
0x5b: {  	_ =	shalt  }
0x5c: {  	_ =	shalt  }
0x5d: {  	_ =	shalt  }
0x5e: {  	_ =	shalt  }
0x5f: {  	_ =	shalt  }
0x60: {  	_ =	shalt  }
0x61: {  	_ =	shalt  }
0x62: {  	_ =	shalt  }
0x63: {  	_ =	shalt  }
0x64: {  	_ =	shalt  }
0x65: {  	_ =	shalt  }
0x66: {  	_ =	shalt  }
0x67: {  	_ =	shalt  }
0x68: {  	_ =	shalt  }
0x69: {  	_ =	shalt  }
0x6a: {  	_ =	shalt  }
0x6b: {  	_ =	shalt  }
0x6c: {  	_ =	shalt  }
0x6d: {  	_ =	shalt  }
0x6e: {  	_ =	shalt  }
0x6f: {  	_ =	shalt  }
0x70: {  	_ =	shalt  }
0x71: {  	_ =	shalt  }
0x72: {  	_ =	shalt  }
0x73: {  	_ =	shalt  }
0x74: {  	_ =	shalt  }
0x75: {  	_ =	shalt  }
0x76: {  	_ =	shalt  }
0x77: {  	_ =	shalt  }
0x78: {  	_ =	shalt  }
0x79: {  	_ =	shalt  }
0x7a: {  	_ =	shalt  }
0x7b: {  	_ =	shalt  }
0x7c: {  	_ =	shalt  }
0x7d: {  	_ =	shalt  }
0x7e: {  	_ =	shalt  }
0x7f: {  	_ =	shalt  }
0x80: {  	_ =	shalt  }
0x81: {  	_ =	shalt  }
0x82: {  	_ =	shalt  }
0x83: {  	_ =	shalt  }
0x84: {  	_ =	shalt  }
0x85: {  	_ =	shalt  }
0x86: {  	_ =	shalt  }
0x87: {  	_ =	shalt  }
.Lfunc_end0:
.L_simem_size_0:
called_computation_lowered:
.L_overlay_start_0:
0x88: {  	s2 =	sld [smem:$0x3FD9]  }
0x89: {  	s3 =	sld [smem:$0x3FFE];
	_ =	sdelay $0x1  }
0x8a: {  	s1 =	srdreg.scid  }
0x8b: {  	s0 =	sand.u32 $0x1, s1  }
0x8c: {  	s17 =	sshll.u32 s0, $0xA;
	s2 =	sadd.s32 s3, s2  }
0x8d: {  	s2 =	sadd.s32 s2, s17  }
0x8e: {  	[smem:$0x3FBE] =	sst s2  }
0x8f: {  	_ = 	snop  }
0x90: {  	s2 =	sld [smem:$0x3FD0];
	(tm) =	ssettm $0x1  }
0x91: {  	s18 =	sld [smem:$0x3FFB];
	_ =	sdelay $0x3  }
0x92: {  	_ =	strace s18  }
0x93: {  	s3 =	sld [smem:$0x3FFC];
	_ =	sdelay $0x3  }
0x94: {  	_ =	strace s3  }
0x95: {  	s3 =	sld [smem:$0x3FFD];
	_ =	sdelay $0x3  }
0x96: {  	_ =	strace s3  }
0x97: {  	_ =	strace $0x8FFFFFFF  }
0x98: {  	s19 =	sld [smem:$0x3FDB];
	_ =	sdelay $0x1  }
0x99: {  	s4 =	simm.s32 $_scs_section_size  }
0x9a: {  	s5 =	simm.s32 $_size__tile_overlayer_lowered;
	s6 =	simm.s32 $_tile_overlayer_lowered  }
0x9b: {  	s22 =	simm.s32 $0x1BFF;
	s21 =	sshll.u32 s6, $0x1;
	s3 =	sadd.s32 s4, s19  }
0x9c: {  	s7 =	simm.s32 $0x0;
	s20 =	sshll.u32 s5, $0x1;
	s5 =	sadd.s32 s21, s3  }
0x9d: {  	[timem:s7], [sflag:s22] =	dma.local [hbm:s5], s20  }
0x9e: {  	_ =	swait.ge [sflag:s22], s20  }
0x9f: {  	s4 =	ssub.s32 $0x0, s20;
	[sflag:s22] =	ssyncset.done $0x0  }
0xa0: {  	[sflag:s22] =	ssyncadd.s32 s4;
	_ =	sdelay $0x1  }
0xa1: {  	s23 =	simm.s32 $0x1B8B  }
0xa2: {  	_ =	swait.ge [sflag:s23], $0x1  }
0xa3: {  	[sflag:s23] =	ssyncset.done $0x0  }
0xa4: {  	s25 =	simm.s32 $0x1B8E;
	s24 =	sld [smem:$0x3FFE];
	[sflag:s23] =	ssyncadd.s32 $0xFFFFFFFF  }
0xa5: {  	s26 =	simm.s32 $execute0_lowered;
	[smem:$0x3FD2] =	sst s25  }
0xa6: {  	s5 =	sshll.u32 s26, $0x1;
	_ =	strace $0x80000046;
	[dreg:$0x1] =	wrdreg $0xFFFFFFFF  }
0xa7: {  	s28 =	simm.s32 $_size_execute0_lowered;
	s3 =	sadd.s32 s3, s5;
	[dreg:$0x0] =	wrdreg $0x0  }
0xa8: {  	s5 =	sshll.u32 s28, $0x1;
	[dreg:$0x2] =	wrdreg s3  }
0xa9: {  	[dreg:$0x3] =	wrdreg s5  }
0xaa: {  	[dreg:$0x4] =	wrdreg $0xC0  }
0xab: {  	_ =	task [dreg:s7], $0x5FFFF  }
0xac: {  	[dreg:$0x1] =	wrdreg $0xFFFFFFFF  }
0xad: {  	[dreg:$0x0] =	wrdreg $0x60  }
0xae: {  	[dreg:$0x2] =	wrdreg s2  }
0xaf: {  	[dreg:$0x3] =	wrdreg s24  }
0xb0: {  	[dreg:$0x4] =	wrdreg $0x9  }
0xb1: {  	_ =	task.clear_ibuf [dreg:s7], $0x5FFFF;
	_ =	strace $0x90000046  }
0xb2: {  	s29 =	simm.s32 $0x9;
	_ =	strace $0x80000048  }
0xb3: {  	_ =	swait.ge [sflag:s29], $0x1  }
0xb4: {  	[sflag:s29] =	ssyncadd.s32 $0xFFFFFFFF  }
0xb5: {  	_ =	strace $0x90000048  }
0xb6: {  	_ =	sfence  }
0xb7: {  	s30 =	sld [smem:$0x0];
	_ =	sdelay $0x2  }
0xb8: {  	s31 =	sshll.u32 s1, $0xD;
	s1 =	sshrl.u32 s1, $0x2  }
0xb9: {  	s3 =	sand.u32 $0x4000, s31;
	s1 =	sadd.s32 s1, s30  }
0xba: {  	s0 =	sor.u32 s3, s0;
	s1 =	sshll.u32 s1, $0x11  }
0xbb: {  	s0 =	sor.u32 s1, s0  }
0xbc: {  	s0 =	sadd.s32 $0x8F2B, s0  }
0xbd: {  	[sflag:s0] =	ssyncadd.remote.s32 $0x1  }
0xbe: {  	_ =	sfence.sel $0xFFFF  }
0xbf: {  	[dreg:$0x0] =	wrdreg $0xFFFFFFFF;
	(pc) =	sbr.abs _section_cstart, $3  }
0xc0: {  	[dreg:$0x1] =	wrdreg $0xFFFFFFFF  }
0xc1: {  	_ =	task.clear_ibuf [dreg:s7], $0x2FFFF;
	_ =	strace $0x9FFFFFFF  }
0xc2: {  	(tm) =	ssettm $0x7FFFFFFF  }
0xc3: {  	_ =	shalt  }
tec
execute0_lowered:
.L_overlay_start_1:
0x0: {  	(tag) =	ssettag $0x1  }
0x1: {  	s1 =	srdreg.scid  }
0x2: {  	s0 =	stileid.u32;
	s3 =	rddreg [dreg:$0x0]  }
0x3: {  	s9 =	rddreg [dreg:$0x1];
	s6 =	sand.u32 $0x1, s1;
	s30 =	sshll.u32 s0, $0x1  }
0x4: {  	s2 =	simm.s32 $0x0;
	s1 =	rddreg [dreg:$0x2];
	s7 =	sor.u32 s6, s30  }
0x5: {  	s8 =	simm.s32 $0x1;
	[smem:$0x7FF] =	sst s2;
	s4 =	smul.u32 $0x71, s7  }
0x6: {  	s5 =	sadd.s32 $0x1800, s9;
	_ =	strace $0x80000047;
	s11 =	ssub.s32 $0x2, s6  }
0x7: {  	s6 =	simm.s32 $0x388;
	s4 =	sadd.s32 s3, s4;
	s3 =	simm.s32 $0x2  }
0x8: {  	[tilespmem:s2], [sflag:$0x2] =	stream.linear.gather [hbm4b:s4+s2], $0x388, $0x38;
	[tilespmem:$0x1C800] =	vst v63  }
0x9: {  	s10 =	smul.u32 $0x3880, s7;
	s12 =	sshrl.u32 s11, $0x1;
	_ =	swait.ge [sflag:s3], $0x388  }
0xa: {  	s7 =	simm.s32 $0x400;
	s31 =	ssub.s32 s11, s12;
	[sflag:s3] =	ssyncset.done $0x0  }
0xb: {  	s9 =	sadd.s32 s10, s9;
	s10 =	smax.u32 s31, $0x1;
	[sflag:s3] =	ssyncadd.s32 $0xFFFFFC78  }
0xc: {  	[tilespmem:s7], [sflag:$0x1] =	stream.indirect.gather [hbm4b:s5+s6], $0x80, s2, s6, $0xb8;
	[tilespmem:$0x1C800] =	vst v63  }
0xd: {  	p0 =	sne.s32 s10, $0x1;
	_ =	swait.ge [sflag:s8], $0x1C400  }
.Ltmp0:
0xe: {  	[sflag:s8] =	ssyncset.done $0x0;
	(pc) =	sbr.rel @!p0 .LBB2_2-.Ltmp0, $4  }
0xf: {  	s9 =	sadd.s32 $0x21800, s9;
	[sflag:s8] =	ssyncadd.s32 $0xFFFE3C00  }
0x10: {  	[hbm4b:s9+s2] =	stream.linear.scatter [tilespmem:s7], [sflag:$0x2], $0x1C400, $0x38;
	[tilespmem:$0x1C800] =	vst v63  }
0x11: {  	_ =	swait.ge [sflag:s3], $0x1C400  }
0x12: {  	s10 =	sadd.s32 $0xFFFFFFFF, s10;
	[sflag:s3] =	ssyncset.done $0x0  }
.LBB2_1:
0x13: {  	p0 =	sne.s32 s10, $0x1;
	s10 =	sadd.s32 $0xFFFFFFFF, s10;
	[sflag:s3] =	ssyncadd.s32 $0xFFFE3C00  }
0x14: {  	[tilespmem:s2], [sflag:$0x2] =	stream.linear.gather [hbm4b:s4+s2], $0x388, $0x38;
	[tilespmem:$0x1C800] =	vst v63  }
0x15: {  	_ =	swait.ge [sflag:s3], $0x388  }
0x16: {  	[sflag:s3] =	ssyncset.done $0x0  }
0x17: {  	[sflag:s3] =	ssyncadd.s32 $0xFFFFFC78  }
0x18: {  	[tilespmem:s7], [sflag:$0x1] =	stream.indirect.gather [hbm4b:s5+s6], $0x80, s2, s6, $0xb8;
	[tilespmem:$0x1C800] =	vst v63  }
0x19: {  	_ =	swait.ge [sflag:s8], $0x1C400  }
.Ltmp1:
0x1a: {  	[sflag:s8] =	ssyncset.done $0x0;
	(pc) =	sbr.rel @p0 .LBB2_1-.Ltmp1, $4  }
0x1b: {  	[sflag:s8] =	ssyncadd.s32 $0xFFFE3C00  }
0x1c: {  	[hbm4b:s9+s2] =	stream.linear.scatter [tilespmem:s7], [sflag:$0x2], $0x1C400, $0x38;
	[tilespmem:$0x1C800] =	vst v63  }
0x1d: {  	_ =	swait.ge [sflag:s3], $0x1C400  }
0x1e: {  	[sflag:s3] =	ssyncset.done $0x0  }
.LBB2_2:
0x1f: {  	[sflag:s3] =	ssyncadd.s32 $0xFFFE3C00  }
0x20: {  	_ =	sfence.sel $0x180000  }
0x21: {  	[bflag:$0x0] =	sbarrier.arrive $0xFFFF  }
0x22: {  	p0 =	sne.s32 s0, $0x0;
	_ =	strace $0x90000047  }
0x23: {  	s0 =	sadd.s32 @!p0 $0x100000, s1;
	[bflag:$0x2] =	sbarrier.arrive $0xFFFF  }
0x24: {  	[sflag:s0] =	ssyncadd.tile.s32 @!p0 $0x1;
	_ =	shalt  }
.Lfunc_end2:
_tile_overlayer_lowered:
.L_overlay_start_2:
0x25: {  	(tag) =	ssettag $0x2  }
0x26: {  	s0 =	rddreg [dreg:$0x0];
	s2 =	stileid.u32  }
0x27: {  	s1 =	rddreg [dreg:$0x1];
	p0 =	sne.s32 s2, $0x0  }
0x28: {  	s3 =	rddreg [dreg:$0x2];
	[bflag:$0x3] =	sbarrier.arrive $0xFFFF;
	s2 =	simm.s32 @!p0 $0x1C02  }
0x29: {  	[timem:s3], [sflag:s2] =	dma.local @!p0 [hbm:s0], s1  }
0x2a: {  	s0 =	simm.s32 @!p0 $0x2  }
0x2b: {  	_ =	swait.ge @!p0 [sflag:s0], s1  }
0x2c: {  	s1 =	ssub.s32 @!p0 $0x0, s1;
	[sflag:s0] =	ssyncset.done @!p0 $0x0  }
0x2d: {  	[sflag:s0] =	ssyncadd.s32 @!p0 s1  }
0x2e: {  	[bflag:$0x3] =	sbarrier.arrive $0xFFFF  }
0x2f: {  	_ =	shalt  }

</sc_bundles>
